<compile_context>
chip_gen: v7x
topology: tpu7x:2x2x1
jax: 0.10.2.dev20260603
libtpu: 0.0.44.dev20260713+nightly
codegen_flags: <defaults>
</compile_context>

<pallas_src>
import functools

import jax
import jax.numpy as jnp
from jax import lax
from jax.experimental import pallas as pl
from jax.experimental.pallas import tpu as pltpu
from jax.experimental.pallas import tpu_sc as plsc

BATCH = 16384
D = 64
NC = 2
NS = 16
NW = NC * NS
B_PER_W = BATCH // NW


CHUNK = 128
N_ROWS = 100000


def _sc_gather(big_table, users, movies, nbatch):
  mesh = plsc.VectorSubcoreMesh(core_axis_name="c", subcore_axis_name="s")
  b_per_w = nbatch // NW
  nch = b_per_w // CHUNK
  cp = pltpu.CompilerParams(
      skip_device_barrier=True,
      disable_semaphore_checks=True,
      disable_bounds_checks=True,
  )

  @functools.partial(
      pl.kernel,
      mesh=mesh,
      out_type=[
          jax.ShapeDtypeStruct((nbatch, 2 * D), jnp.float32),
          jax.ShapeDtypeStruct((nbatch, 2 * D), jnp.float32),
      ],
      scratch_types=[
          pltpu.VMEM((b_per_w,), jnp.int32),
          pltpu.VMEM((b_per_w,), jnp.int32),
          pltpu.VMEM((CHUNK, 2 * D), jnp.float32),
          pltpu.VMEM((CHUNK, 2 * D), jnp.float32),
          pltpu.VMEM((CHUNK, 2 * D), jnp.float32),
          pltpu.VMEM((CHUNK, 2 * D), jnp.float32),
          [pltpu.SemaphoreType.DMA] * 10,
      ],
      compiler_params=cp,
  )
  def gather_kernel(table_hbm, users_hbm, movies_hbm, ou_hbm, om_hbm,
                    uidx_v, midx_v, ubuf0, ubuf1, mbuf0, mbuf1, sems):
    wid = lax.axis_index("s") * NC + lax.axis_index("c")
    base = wid * b_per_w
    ubufs = (ubuf0, ubuf1)
    mbufs = (mbuf0, mbuf1)
    hu = pltpu.async_copy(users_hbm.at[pl.ds(base, b_per_w)], uidx_v, sems[8])
    hm = pltpu.async_copy(movies_hbm.at[pl.ds(base, b_per_w)], midx_v, sems[9])
    hu.wait()
    hm.wait()

    gu = [None] * nch
    gm = [None] * nch
    wu = [None] * nch
    wm = [None] * nch

    def issue_gather(k):
      p = k % 2
      gu[k] = pltpu.async_copy(
          table_hbm.at[uidx_v.at[pl.ds(k * CHUNK, CHUNK)]], ubufs[p], sems[p])
      gm[k] = pltpu.async_copy(
          table_hbm.at[midx_v.at[pl.ds(k * CHUNK, CHUNK)]], mbufs[p],
          sems[2 + p])

    issue_gather(0)
    for k in range(nch):
      p = k % 2
      if k + 1 < nch:
        if k >= 1:
          wu[k - 1].wait()
          wm[k - 1].wait()
        issue_gather(k + 1)
      gu[k].wait()
      gm[k].wait()
      wu[k] = pltpu.async_copy(
          ubufs[p], ou_hbm.at[pl.ds(base + k * CHUNK, CHUNK)], sems[4 + p])
      wm[k] = pltpu.async_copy(
          mbufs[p], om_hbm.at[pl.ds(base + k * CHUNK, CHUNK)], sems[6 + p])
    wu[nch - 2].wait()
    wm[nch - 2].wait()
    wu[nch - 1].wait()
    wm[nch - 1].wait()

  return gather_kernel(big_table, users, movies)


def _mlp_body(u_ref, m_ref, w1a_ref, w1b_ref, w1c_ref, b1_ref, w2_ref, b2_ref,
              o_ref):
  u = u_ref[:, :D]
  m = m_ref[:, D:]
  h = (
      jnp.dot(u * m, w1a_ref[...], preferred_element_type=jnp.float32)
      + jnp.dot(u, w1b_ref[...], preferred_element_type=jnp.float32)
      + jnp.dot(m, w1c_ref[...], preferred_element_type=jnp.float32)
      + b1_ref[...]
  )
  h = jnp.maximum(h, 0.0)
  y = jnp.dot(h, w2_ref[...], preferred_element_type=jnp.float32) + b2_ref[...]
  o_ref[...] = jax.nn.sigmoid(y)


def _tc_mlp(u_g, m_g, W1, b1, W2, b2, nbatch, block=2048):
  w1t = W1.T
  w1a = w1t[:D]
  w1b = w1t[D:2 * D]
  w1c = w1t[2 * D:]
  b1r = b1.reshape(1, 8)
  w2r = W2.reshape(8, 1)
  b2r = b2.reshape(1, 1)
  grid = (nbatch // block,)
  return pl.pallas_call(
      _mlp_body,
      grid=grid,
      in_specs=[
          pl.BlockSpec((block, 2 * D), lambda i: (i, 0)),
          pl.BlockSpec((block, 2 * D), lambda i: (i, 0)),
          pl.BlockSpec((D, 8), lambda i: (0, 0)),
          pl.BlockSpec((D, 8), lambda i: (0, 0)),
          pl.BlockSpec((D, 8), lambda i: (0, 0)),
          pl.BlockSpec((1, 8), lambda i: (0, 0)),
          pl.BlockSpec((8, 1), lambda i: (0, 0)),
          pl.BlockSpec((1, 1), lambda i: (0, 0)),
      ],
      out_specs=pl.BlockSpec((block, 1), lambda i: (i, 0)),
      out_shape=jax.ShapeDtypeStruct((nbatch, 1), jnp.float32),
  )(u_g, m_g, w1a, w1b, w1c, b1r, w2r, b2r)


@jax.jit
def kernel(users, movies, user_emb, movie_emb, W1, b1, W2, b2):
  users = users.astype(jnp.int32)
  movies = movies.astype(jnp.int32)
  big_table = jnp.concatenate([user_emb, movie_emb], axis=1)
  npipe = 2
  piece = BATCH // npipe
  outs = []
  for p in range(npipe):
    sl = slice(p * piece, (p + 1) * piece)
    u_g, m_g = _sc_gather(big_table, users[sl], movies[sl], piece)
    outs.append(_tc_mlp(u_g, m_g, W1, b1, W2, b2, piece))
  return jnp.concatenate(outs, axis=0)

# --- scband reference (transcript-rebuilt; emitter-appended) ---
"""Pipeline reference for scband-neural-net-48249662603615 (READ-ONLY COPY).

The authoritative reference and input builder live on the scoring server;
editing this copy changes nothing except your own understanding.
"""

import jax, jax.numpy as jnp
import numpy as np

N_USERS = 100000
N_MOVIES = 100000
N_FACTORS = 64
BATCH = 16384


def setup_inputs(seed: int = 0) -> dict:
    key = jax.random.key(seed)
    k1, k2, k3, k4, k5, k6, k7, k8 = jax.random.split(key, 8)
    users = jax.random.randint(k1, (BATCH,), 0, N_USERS, dtype=jnp.int64) if jax.config.jax_enable_x64 else jax.random.randint(k1, (BATCH,), 0, N_USERS, dtype=jnp.int32)
    movies = jax.random.randint(k2, (BATCH,), 0, N_MOVIES, dtype=jnp.int32)
    # embedding tables (xavier_normal-like init)
    std_emb = float(np.sqrt(2.0 / (N_USERS + N_FACTORS)))
    user_emb = jax.random.normal(k3, (N_USERS, N_FACTORS), dtype=jnp.float32) * std_emb
    movie_emb = jax.random.normal(k4, (N_MOVIES, N_FACTORS), dtype=jnp.float32) * std_emb
    # prediction MLP: Linear(3*n_factors, 8) -> ReLU -> Linear(8, 1) -> Sigmoid
    # original code uses nn.init.normal_(weight) (std=1)
    W1 = jax.random.normal(k5, (8, 3 * N_FACTORS), dtype=jnp.float32)
    b1 = jnp.zeros((8,), dtype=jnp.float32)
    W2 = jax.random.normal(k6, (1, 8), dtype=jnp.float32)
    b2 = jnp.zeros((1,), dtype=jnp.float32)
    return {"users": users, "movies": movies, "user_emb": user_emb, "movie_emb": movie_emb, "W1": W1, "b1": b1, "W2": W2, "b2": b2}


def reference(users, movies, user_emb, movie_emb, W1, b1, W2, b2):
    # r_type == 'user' path of NeuralNet.forward
    u_embeddings = jnp.take(user_emb, users, axis=0)
    m_embeddings = jnp.take(movie_emb, movies, axis=0)
    element_embeddings = u_embeddings * m_embeddings
    final_embedding = jnp.concatenate((element_embeddings, u_embeddings, m_embeddings), axis=1)
    h = jnp.maximum(final_embedding @ W1.T + b1, 0.0)  # Linear + ReLU (Dropout p=0 is identity)
    out = jax.nn.sigmoid(h @ W2.T + b2)
    return out

if __name__ == "__main__":
    import jax
    _d = setup_inputs()
    print(jax.jit(kernel)(*tuple(_d.values())))

</pallas_src>

<mosaic_0001>
#map = affine_map<(d0, d1) -> (0, 0)>
#map1 = affine_map<(d0, d1) -> (0)>
module attributes {stable_mosaic.version = 14 : i64} {
  func.func @gather_kernel(%arg0: i32, %arg1: i32, %arg2: memref<100000x128xf32, #tpu.memory_space<hbm>>, %arg3: memref<8192xi32, #tpu.memory_space<hbm>>, %arg4: memref<8192xi32, #tpu.memory_space<hbm>>, %arg5: memref<8192x128xf32, #tpu.memory_space<hbm>>, %arg6: memref<8192x128xf32, #tpu.memory_space<hbm>>, %arg7: memref<256xi32, #tpu.memory_space<vmem>>, %arg8: memref<256xi32, #tpu.memory_space<vmem>>, %arg9: memref<128x128xf32, #tpu.memory_space<vmem>>, %arg10: memref<128x128xf32, #tpu.memory_space<vmem>>, %arg11: memref<128x128xf32, #tpu.memory_space<vmem>>, %arg12: memref<128x128xf32, #tpu.memory_space<vmem>>, %arg13: memref<!tpu.dma_semaphore, #tpu.memory_space<semaphore_mem>>, %arg14: memref<!tpu.dma_semaphore, #tpu.memory_space<semaphore_mem>>, %arg15: memref<!tpu.dma_semaphore, #tpu.memory_space<semaphore_mem>>, %arg16: memref<!tpu.dma_semaphore, #tpu.memory_space<semaphore_mem>>, %arg17: memref<!tpu.dma_semaphore, #tpu.memory_space<semaphore_mem>>, %arg18: memref<!tpu.dma_semaphore, #tpu.memory_space<semaphore_mem>>, %arg19: memref<!tpu.dma_semaphore, #tpu.memory_space<semaphore_mem>>, %arg20: memref<!tpu.dma_semaphore, #tpu.memory_space<semaphore_mem>>, %arg21: memref<!tpu.dma_semaphore, #tpu.memory_space<semaphore_mem>>, %arg22: memref<!tpu.dma_semaphore, #tpu.memory_space<semaphore_mem>>) attributes {dimension_semantics = [#tpu.dimension_semantics<core_parallel>, #tpu.dimension_semantics<subcore_parallel>], iteration_bounds = array<i64: 2, 16>, scalar_prefetch = 0 : i64, scratch_operands = 16 : i64, tpu.core_type = #tpu.core_type<sc_vector_subcore>, window_params = [{transform_indices = #map}, {transform_indices = #map1}, {transform_indices = #map1}, {transform_indices = #map}, {transform_indices = #map}]} {
    %mul3A = arith.constant 2 : i32
    %mul3A_0 = arith.muli %arg1, %mul3A : i32
    %add3A = arith.addi %mul3A_0, %arg0 : i32
    %mul3A_1 = arith.constant 256 : i32
    %mul3A_2 = arith.muli %add3A, %mul3A_1 : i32
    %dma_start3A = tpu.memref_slice %arg3[%mul3A_2] : memref<8192xi32, #tpu.memory_space<hbm>> -> memref<256xi32, #tpu.memory_space<hbm>>
    %dma_start3A_3 = tpu.memref_slice %arg3[%mul3A_2] : memref<8192xi32, #tpu.memory_space<hbm>> -> memref<256xi32, #tpu.memory_space<hbm>>
    tpu.enqueue_dma source(%dma_start3A_3 : memref<256xi32, #tpu.memory_space<hbm>>) target(%arg7 : memref<256xi32, #tpu.memory_space<vmem>>) target_semaphore(%arg21 : memref<!tpu.dma_semaphore, #tpu.memory_space<semaphore_mem>>)
    %dma_start3A_4 = tpu.memref_slice %arg4[%mul3A_2] : memref<8192xi32, #tpu.memory_space<hbm>> -> memref<256xi32, #tpu.memory_space<hbm>>
    %dma_start3A_5 = tpu.memref_slice %arg4[%mul3A_2] : memref<8192xi32, #tpu.memory_space<hbm>> -> memref<256xi32, #tpu.memory_space<hbm>>
    tpu.enqueue_dma source(%dma_start3A_5 : memref<256xi32, #tpu.memory_space<hbm>>) target(%arg8 : memref<256xi32, #tpu.memory_space<vmem>>) target_semaphore(%arg22 : memref<!tpu.dma_semaphore, #tpu.memory_space<semaphore_mem>>)
    %dma_wait3A = tpu.memref_slice %arg3[%mul3A_2] : memref<8192xi32, #tpu.memory_space<hbm>> -> memref<256xi32, #tpu.memory_space<hbm>>
    %dma_wait3A_6 = tpu.memref_slice %arg3[%mul3A_2] : memref<8192xi32, #tpu.memory_space<hbm>> -> memref<256xi32, #tpu.memory_space<hbm>>
    tpu.wait_dma2 semaphore(%arg21 : memref<!tpu.dma_semaphore, #tpu.memory_space<semaphore_mem>>) src(%dma_wait3A_6 : memref<256xi32, #tpu.memory_space<hbm>>) dst(%arg7 : memref<256xi32, #tpu.memory_space<vmem>>)
    %dma_wait3A_7 = tpu.memref_slice %arg4[%mul3A_2] : memref<8192xi32, #tpu.memory_space<hbm>> -> memref<256xi32, #tpu.memory_space<hbm>>
    %dma_wait3A_8 = tpu.memref_slice %arg4[%mul3A_2] : memref<8192xi32, #tpu.memory_space<hbm>> -> memref<256xi32, #tpu.memory_space<hbm>>
    tpu.wait_dma2 semaphore(%arg22 : memref<!tpu.dma_semaphore, #tpu.memory_space<semaphore_mem>>) src(%dma_wait3A_8 : memref<256xi32, #tpu.memory_space<hbm>>) dst(%arg8 : memref<256xi32, #tpu.memory_space<vmem>>)
    %dma_start3A_9 = arith.constant 0 : i32
    %dma_start3A_10 = tpu.memref_slice %arg7[%dma_start3A_9] : memref<256xi32, #tpu.memory_space<vmem>> -> memref<128xi32, #tpu.memory_space<vmem>>
    %dma_start3A_11 = arith.constant 0 : i32
    %dma_start3A_12 = arith.constant 0 : i32
    %dma_start3A_13 = tpu.memref_slice %arg2[%dma_start3A_11, %dma_start3A_12] : memref<100000x128xf32, #tpu.memory_space<hbm>> -> memref<100000x128xf32, #tpu.memory_space<hbm>>
    tpu.enqueue_indirect_dma source(%dma_start3A_13 : memref<100000x128xf32, #tpu.memory_space<hbm>>) target(%arg9 : memref<128x128xf32, #tpu.memory_space<vmem>>) offsets(%dma_start3A_10 : memref<128xi32, #tpu.memory_space<vmem>>) semaphore(%arg13 : memref<!tpu.dma_semaphore, #tpu.memory_space<semaphore_mem>>)
    %dma_start3A_14 = arith.constant 0 : i32
    %dma_start3A_15 = tpu.memref_slice %arg8[%dma_start3A_14] : memref<256xi32, #tpu.memory_space<vmem>> -> memref<128xi32, #tpu.memory_space<vmem>>
    %dma_start3A_16 = arith.constant 0 : i32
    %dma_start3A_17 = arith.constant 0 : i32
    %dma_start3A_18 = tpu.memref_slice %arg2[%dma_start3A_16, %dma_start3A_17] : memref<100000x128xf32, #tpu.memory_space<hbm>> -> memref<100000x128xf32, #tpu.memory_space<hbm>>
    tpu.enqueue_indirect_dma source(%dma_start3A_18 : memref<100000x128xf32, #tpu.memory_space<hbm>>) target(%arg11 : memref<128x128xf32, #tpu.memory_space<vmem>>) offsets(%dma_start3A_15 : memref<128xi32, #tpu.memory_space<vmem>>) semaphore(%arg15 : memref<!tpu.dma_semaphore, #tpu.memory_space<semaphore_mem>>)
    %dma_start3A_19 = arith.constant 128 : i32
    %dma_start3A_20 = tpu.memref_slice %arg7[%dma_start3A_19] : memref<256xi32, #tpu.memory_space<vmem>> -> memref<128xi32, #tpu.memory_space<vmem>>
    %dma_start3A_21 = arith.constant 0 : i32
    %dma_start3A_22 = arith.constant 0 : i32
    %dma_start3A_23 = tpu.memref_slice %arg2[%dma_start3A_21, %dma_start3A_22] : memref<100000x128xf32, #tpu.memory_space<hbm>> -> memref<100000x128xf32, #tpu.memory_space<hbm>>
    tpu.enqueue_indirect_dma source(%dma_start3A_23 : memref<100000x128xf32, #tpu.memory_space<hbm>>) target(%arg10 : memref<128x128xf32, #tpu.memory_space<vmem>>) offsets(%dma_start3A_20 : memref<128xi32, #tpu.memory_space<vmem>>) semaphore(%arg14 : memref<!tpu.dma_semaphore, #tpu.memory_space<semaphore_mem>>)
    %dma_start3A_24 = arith.constant 128 : i32
    %dma_start3A_25 = tpu.memref_slice %arg8[%dma_start3A_24] : memref<256xi32, #tpu.memory_space<vmem>> -> memref<128xi32, #tpu.memory_space<vmem>>
    %dma_start3A_26 = arith.constant 0 : i32
    %dma_start3A_27 = arith.constant 0 : i32
    %dma_start3A_28 = tpu.memref_slice %arg2[%dma_start3A_26, %dma_start3A_27] : memref<100000x128xf32, #tpu.memory_space<hbm>> -> memref<100000x128xf32, #tpu.memory_space<hbm>>
    tpu.enqueue_indirect_dma source(%dma_start3A_28 : memref<100000x128xf32, #tpu.memory_space<hbm>>) target(%arg12 : memref<128x128xf32, #tpu.memory_space<vmem>>) offsets(%dma_start3A_25 : memref<128xi32, #tpu.memory_space<vmem>>) semaphore(%arg16 : memref<!tpu.dma_semaphore, #tpu.memory_space<semaphore_mem>>)
    %dma_wait3A_29 = arith.constant 0 : i32
    %dma_wait3A_30 = tpu.memref_slice %arg7[%dma_wait3A_29] : memref<256xi32, #tpu.memory_space<vmem>> -> memref<128xi32, #tpu.memory_space<vmem>>
    %dma_wait3A_31 = arith.constant 0 : i32
    %dma_wait3A_32 = arith.constant 0 : i32
    %dma_wait3A_33 = tpu.memref_slice %arg2[%dma_wait3A_31, %dma_wait3A_32] : memref<100000x128xf32, #tpu.memory_space<hbm>> -> memref<100000x128xf32, #tpu.memory_space<hbm>>
    tpu.wait_indirect_dma semaphore(%arg13 : memref<!tpu.dma_semaphore, #tpu.memory_space<semaphore_mem>>) src(%dma_wait3A_33 : memref<100000x128xf32, #tpu.memory_space<hbm>>) dst(%arg9 : memref<128x128xf32, #tpu.memory_space<vmem>>)
    %dma_wait3A_34 = arith.constant 0 : i32
    %dma_wait3A_35 = tpu.memref_slice %arg8[%dma_wait3A_34] : memref<256xi32, #tpu.memory_space<vmem>> -> memref<128xi32, #tpu.memory_space<vmem>>
    %dma_wait3A_36 = arith.constant 0 : i32
    %dma_wait3A_37 = arith.constant 0 : i32
    %dma_wait3A_38 = tpu.memref_slice %arg2[%dma_wait3A_36, %dma_wait3A_37] : memref<100000x128xf32, #tpu.memory_space<hbm>> -> memref<100000x128xf32, #tpu.memory_space<hbm>>
    tpu.wait_indirect_dma semaphore(%arg15 : memref<!tpu.dma_semaphore, #tpu.memory_space<semaphore_mem>>) src(%dma_wait3A_38 : memref<100000x128xf32, #tpu.memory_space<hbm>>) dst(%arg11 : memref<128x128xf32, #tpu.memory_space<vmem>>)
    %add3A_39 = arith.constant 0 : i32
    %add3A_40 = arith.addi %mul3A_2, %add3A_39 : i32
    %dma_start3A_41 = arith.constant 0 : i32
    %dma_start3A_42 = tpu.memref_slice %arg5[%add3A_40, %dma_start3A_41] : memref<8192x128xf32, #tpu.memory_space<hbm>> -> memref<128x128xf32, #tpu.memory_space<hbm>>
    %dma_start3A_43 = arith.constant 0 : i32
    %dma_start3A_44 = tpu.memref_slice %arg5[%add3A_40, %dma_start3A_43] : memref<8192x128xf32, #tpu.memory_space<hbm>> -> memref<128x128xf32, #tpu.memory_space<hbm>>
    tpu.enqueue_dma source(%arg9 : memref<128x128xf32, #tpu.memory_space<vmem>>) target(%dma_start3A_44 : memref<128x128xf32, #tpu.memory_space<hbm>>) target_semaphore(%arg17 : memref<!tpu.dma_semaphore, #tpu.memory_space<semaphore_mem>>)
    %add3A_45 = arith.constant 0 : i32
    %add3A_46 = arith.addi %mul3A_2, %add3A_45 : i32
    %dma_start3A_47 = arith.constant 0 : i32
    %dma_start3A_48 = tpu.memref_slice %arg6[%add3A_46, %dma_start3A_47] : memref<8192x128xf32, #tpu.memory_space<hbm>> -> memref<128x128xf32, #tpu.memory_space<hbm>>
    %dma_start3A_49 = arith.constant 0 : i32
    %dma_start3A_50 = tpu.memref_slice %arg6[%add3A_46, %dma_start3A_49] : memref<8192x128xf32, #tpu.memory_space<hbm>> -> memref<128x128xf32, #tpu.memory_space<hbm>>
    tpu.enqueue_dma source(%arg11 : memref<128x128xf32, #tpu.memory_space<vmem>>) target(%dma_start3A_50 : memref<128x128xf32, #tpu.memory_space<hbm>>) target_semaphore(%arg19 : memref<!tpu.dma_semaphore, #tpu.memory_space<semaphore_mem>>)
    %dma_wait3A_51 = arith.constant 128 : i32
    %dma_wait3A_52 = tpu.memref_slice %arg7[%dma_wait3A_51] : memref<256xi32, #tpu.memory_space<vmem>> -> memref<128xi32, #tpu.memory_space<vmem>>
    %dma_wait3A_53 = arith.constant 0 : i32
    %dma_wait3A_54 = arith.constant 0 : i32
    %dma_wait3A_55 = tpu.memref_slice %arg2[%dma_wait3A_53, %dma_wait3A_54] : memref<100000x128xf32, #tpu.memory_space<hbm>> -> memref<100000x128xf32, #tpu.memory_space<hbm>>
    tpu.wait_indirect_dma semaphore(%arg14 : memref<!tpu.dma_semaphore, #tpu.memory_space<semaphore_mem>>) src(%dma_wait3A_55 : memref<100000x128xf32, #tpu.memory_space<hbm>>) dst(%arg10 : memref<128x128xf32, #tpu.memory_space<vmem>>)
    %dma_wait3A_56 = arith.constant 128 : i32
    %dma_wait3A_57 = tpu.memref_slice %arg8[%dma_wait3A_56] : memref<256xi32, #tpu.memory_space<vmem>> -> memref<128xi32, #tpu.memory_space<vmem>>
    %dma_wait3A_58 = arith.constant 0 : i32
    %dma_wait3A_59 = arith.constant 0 : i32
    %dma_wait3A_60 = tpu.memref_slice %arg2[%dma_wait3A_58, %dma_wait3A_59] : memref<100000x128xf32, #tpu.memory_space<hbm>> -> memref<100000x128xf32, #tpu.memory_space<hbm>>
    tpu.wait_indirect_dma semaphore(%arg16 : memref<!tpu.dma_semaphore, #tpu.memory_space<semaphore_mem>>) src(%dma_wait3A_60 : memref<100000x128xf32, #tpu.memory_space<hbm>>) dst(%arg12 : memref<128x128xf32, #tpu.memory_space<vmem>>)
    %add3A_61 = arith.constant 128 : i32
    %add3A_62 = arith.addi %mul3A_2, %add3A_61 : i32
    %dma_start3A_63 = arith.constant 0 : i32
    %dma_start3A_64 = tpu.memref_slice %arg5[%add3A_62, %dma_start3A_63] : memref<8192x128xf32, #tpu.memory_space<hbm>> -> memref<128x128xf32, #tpu.memory_space<hbm>>
    %dma_start3A_65 = arith.constant 0 : i32
    %dma_start3A_66 = tpu.memref_slice %arg5[%add3A_62, %dma_start3A_65] : memref<8192x128xf32, #tpu.memory_space<hbm>> -> memref<128x128xf32, #tpu.memory_space<hbm>>
    tpu.enqueue_dma source(%arg10 : memref<128x128xf32, #tpu.memory_space<vmem>>) target(%dma_start3A_66 : memref<128x128xf32, #tpu.memory_space<hbm>>) target_semaphore(%arg18 : memref<!tpu.dma_semaphore, #tpu.memory_space<semaphore_mem>>)
    %add3A_67 = arith.constant 128 : i32
    %add3A_68 = arith.addi %mul3A_2, %add3A_67 : i32
    %dma_start3A_69 = arith.constant 0 : i32
    %dma_start3A_70 = tpu.memref_slice %arg6[%add3A_68, %dma_start3A_69] : memref<8192x128xf32, #tpu.memory_space<hbm>> -> memref<128x128xf32, #tpu.memory_space<hbm>>
    %dma_start3A_71 = arith.constant 0 : i32
    %dma_start3A_72 = tpu.memref_slice %arg6[%add3A_68, %dma_start3A_71] : memref<8192x128xf32, #tpu.memory_space<hbm>> -> memref<128x128xf32, #tpu.memory_space<hbm>>
    tpu.enqueue_dma source(%arg12 : memref<128x128xf32, #tpu.memory_space<vmem>>) target(%dma_start3A_72 : memref<128x128xf32, #tpu.memory_space<hbm>>) target_semaphore(%arg20 : memref<!tpu.dma_semaphore, #tpu.memory_space<semaphore_mem>>)
    %dma_wait3A_73 = arith.constant 0 : i32
    %dma_wait3A_74 = tpu.memref_slice %arg5[%add3A_40, %dma_wait3A_73] : memref<8192x128xf32, #tpu.memory_space<hbm>> -> memref<128x128xf32, #tpu.memory_space<hbm>>
    %dma_wait3A_75 = arith.constant 0 : i32
    %dma_wait3A_76 = tpu.memref_slice %arg5[%add3A_40, %dma_wait3A_75] : memref<8192x128xf32, #tpu.memory_space<hbm>> -> memref<128x128xf32, #tpu.memory_space<hbm>>
    tpu.wait_dma2 semaphore(%arg17 : memref<!tpu.dma_semaphore, #tpu.memory_space<semaphore_mem>>) src(%arg9 : memref<128x128xf32, #tpu.memory_space<vmem>>) dst(%dma_wait3A_76 : memref<128x128xf32, #tpu.memory_space<hbm>>)
    %dma_wait3A_77 = arith.constant 0 : i32
    %dma_wait3A_78 = tpu.memref_slice %arg6[%add3A_46, %dma_wait3A_77] : memref<8192x128xf32, #tpu.memory_space<hbm>> -> memref<128x128xf32, #tpu.memory_space<hbm>>
    %dma_wait3A_79 = arith.constant 0 : i32
    %dma_wait3A_80 = tpu.memref_slice %arg6[%add3A_46, %dma_wait3A_79] : memref<8192x128xf32, #tpu.memory_space<hbm>> -> memref<128x128xf32, #tpu.memory_space<hbm>>
    tpu.wait_dma2 semaphore(%arg19 : memref<!tpu.dma_semaphore, #tpu.memory_space<semaphore_mem>>) src(%arg11 : memref<128x128xf32, #tpu.memory_space<vmem>>) dst(%dma_wait3A_80 : memref<128x128xf32, #tpu.memory_space<hbm>>)
    %dma_wait3A_81 = arith.constant 0 : i32
    %dma_wait3A_82 = tpu.memref_slice %arg5[%add3A_62, %dma_wait3A_81] : memref<8192x128xf32, #tpu.memory_space<hbm>> -> memref<128x128xf32, #tpu.memory_space<hbm>>
    %dma_wait3A_83 = arith.constant 0 : i32
    %dma_wait3A_84 = tpu.memref_slice %arg5[%add3A_62, %dma_wait3A_83] : memref<8192x128xf32, #tpu.memory_space<hbm>> -> memref<128x128xf32, #tpu.memory_space<hbm>>
    tpu.wait_dma2 semaphore(%arg18 : memref<!tpu.dma_semaphore, #tpu.memory_space<semaphore_mem>>) src(%arg10 : memref<128x128xf32, #tpu.memory_space<vmem>>) dst(%dma_wait3A_84 : memref<128x128xf32, #tpu.memory_space<hbm>>)
    %dma_wait3A_85 = arith.constant 0 : i32
    %dma_wait3A_86 = tpu.memref_slice %arg6[%add3A_68, %dma_wait3A_85] : memref<8192x128xf32, #tpu.memory_space<hbm>> -> memref<128x128xf32, #tpu.memory_space<hbm>>
    %dma_wait3A_87 = arith.constant 0 : i32
    %dma_wait3A_88 = tpu.memref_slice %arg6[%add3A_68, %dma_wait3A_87] : memref<8192x128xf32, #tpu.memory_space<hbm>> -> memref<128x128xf32, #tpu.memory_space<hbm>>
    tpu.wait_dma2 semaphore(%arg20 : memref<!tpu.dma_semaphore, #tpu.memory_space<semaphore_mem>>) src(%arg12 : memref<128x128xf32, #tpu.memory_space<vmem>>) dst(%dma_wait3A_88 : memref<128x128xf32, #tpu.memory_space<hbm>>)
    return
  }
}

#map = affine_map<(d0, d1) -> (0, 0)>
#map1 = affine_map<(d0, d1) -> (0)>
module attributes {stable_mosaic.version = 14 : i64} {
  func.func @gather_kernel(%arg0: i32, %arg1: i32, %arg2: memref<100000x128xf32, #tpu.memory_space<hbm>>, %arg3: memref<8192xi32, #tpu.memory_space<hbm>>, %arg4: memref<8192xi32, #tpu.memory_space<hbm>>, %arg5: memref<8192x128xf32, #tpu.memory_space<hbm>>, %arg6: memref<8192x128xf32, #tpu.memory_space<hbm>>, %arg7: memref<256xi32, #tpu.memory_space<vmem>>, %arg8: memref<256xi32, #tpu.memory_space<vmem>>, %arg9: memref<128x128xf32, #tpu.memory_space<vmem>>, %arg10: memref<128x128xf32, #tpu.memory_space<vmem>>, %arg11: memref<128x128xf32, #tpu.memory_space<vmem>>, %arg12: memref<128x128xf32, #tpu.memory_space<vmem>>, %arg13: memref<!tpu.dma_semaphore, #tpu.memory_space<semaphore_mem>>, %arg14: memref<!tpu.dma_semaphore, #tpu.memory_space<semaphore_mem>>, %arg15: memref<!tpu.dma_semaphore, #tpu.memory_space<semaphore_mem>>, %arg16: memref<!tpu.dma_semaphore, #tpu.memory_space<semaphore_mem>>, %arg17: memref<!tpu.dma_semaphore, #tpu.memory_space<semaphore_mem>>, %arg18: memref<!tpu.dma_semaphore, #tpu.memory_space<semaphore_mem>>, %arg19: memref<!tpu.dma_semaphore, #tpu.memory_space<semaphore_mem>>, %arg20: memref<!tpu.dma_semaphore, #tpu.memory_space<semaphore_mem>>, %arg21: memref<!tpu.dma_semaphore, #tpu.memory_space<semaphore_mem>>, %arg22: memref<!tpu.dma_semaphore, #tpu.memory_space<semaphore_mem>>) attributes {dimension_semantics = [#tpu.dimension_semantics<core_parallel>, #tpu.dimension_semantics<subcore_parallel>], iteration_bounds = array<i64: 2, 16>, scalar_prefetch = 0 : i64, scratch_operands = 16 : i64, tpu.core_type = #tpu.core_type<sc_vector_subcore>, window_params = [{transform_indices = #map}, {transform_indices = #map1}, {transform_indices = #map1}, {transform_indices = #map}, {transform_indices = #map}]} {
    %mul3A = arith.constant 2 : i32
    %mul3A_0 = arith.muli %arg1, %mul3A : i32
    %add3A = arith.addi %mul3A_0, %arg0 : i32
    %mul3A_1 = arith.constant 256 : i32
    %mul3A_2 = arith.muli %add3A, %mul3A_1 : i32
    %dma_start3A = tpu.memref_slice %arg3[%mul3A_2] : memref<8192xi32, #tpu.memory_space<hbm>> -> memref<256xi32, #tpu.memory_space<hbm>>
    %dma_start3A_3 = tpu.memref_slice %arg3[%mul3A_2] : memref<8192xi32, #tpu.memory_space<hbm>> -> memref<256xi32, #tpu.memory_space<hbm>>
    tpu.enqueue_dma source(%dma_start3A_3 : memref<256xi32, #tpu.memory_space<hbm>>) target(%arg7 : memref<256xi32, #tpu.memory_space<vmem>>) target_semaphore(%arg21 : memref<!tpu.dma_semaphore, #tpu.memory_space<semaphore_mem>>)
    %dma_start3A_4 = tpu.memref_slice %arg4[%mul3A_2] : memref<8192xi32, #tpu.memory_space<hbm>> -> memref<256xi32, #tpu.memory_space<hbm>>
    %dma_start3A_5 = tpu.memref_slice %arg4[%mul3A_2] : memref<8192xi32, #tpu.memory_space<hbm>> -> memref<256xi32, #tpu.memory_space<hbm>>
    tpu.enqueue_dma source(%dma_start3A_5 : memref<256xi32, #tpu.memory_space<hbm>>) target(%arg8 : memref<256xi32, #tpu.memory_space<vmem>>) target_semaphore(%arg22 : memref<!tpu.dma_semaphore, #tpu.memory_space<semaphore_mem>>)
    %dma_wait3A = tpu.memref_slice %arg3[%mul3A_2] : memref<8192xi32, #tpu.memory_space<hbm>> -> memref<256xi32, #tpu.memory_space<hbm>>
    %dma_wait3A_6 = tpu.memref_slice %arg3[%mul3A_2] : memref<8192xi32, #tpu.memory_space<hbm>> -> memref<256xi32, #tpu.memory_space<hbm>>
    tpu.wait_dma2 semaphore(%arg21 : memref<!tpu.dma_semaphore, #tpu.memory_space<semaphore_mem>>) src(%dma_wait3A_6 : memref<256xi32, #tpu.memory_space<hbm>>) dst(%arg7 : memref<256xi32, #tpu.memory_space<vmem>>)
    %dma_wait3A_7 = tpu.memref_slice %arg4[%mul3A_2] : memref<8192xi32, #tpu.memory_space<hbm>> -> memref<256xi32, #tpu.memory_space<hbm>>
    %dma_wait3A_8 = tpu.memref_slice %arg4[%mul3A_2] : memref<8192xi32, #tpu.memory_space<hbm>> -> memref<256xi32, #tpu.memory_space<hbm>>
    tpu.wait_dma2 semaphore(%arg22 : memref<!tpu.dma_semaphore, #tpu.memory_space<semaphore_mem>>) src(%dma_wait3A_8 : memref<256xi32, #tpu.memory_space<hbm>>) dst(%arg8 : memref<256xi32, #tpu.memory_space<vmem>>)
    %dma_start3A_9 = arith.constant 0 : i32
    %dma_start3A_10 = tpu.memref_slice %arg7[%dma_start3A_9] : memref<256xi32, #tpu.memory_space<vmem>> -> memref<128xi32, #tpu.memory_space<vmem>>
    %dma_start3A_11 = arith.constant 0 : i32
    %dma_start3A_12 = arith.constant 0 : i32
    %dma_start3A_13 = tpu.memref_slice %arg2[%dma_start3A_11, %dma_start3A_12] : memref<100000x128xf32, #tpu.memory_space<hbm>> -> memref<100000x128xf32, #tpu.memory_space<hbm>>
    tpu.enqueue_indirect_dma source(%dma_start3A_13 : memref<100000x128xf32, #tpu.memory_space<hbm>>) target(%arg9 : memref<128x128xf32, #tpu.memory_space<vmem>>) offsets(%dma_start3A_10 : memref<128xi32, #tpu.memory_space<vmem>>) semaphore(%arg13 : memref<!tpu.dma_semaphore, #tpu.memory_space<semaphore_mem>>)
    %dma_start3A_14 = arith.constant 0 : i32
    %dma_start3A_15 = tpu.memref_slice %arg8[%dma_start3A_14] : memref<256xi32, #tpu.memory_space<vmem>> -> memref<128xi32, #tpu.memory_space<vmem>>
    %dma_start3A_16 = arith.constant 0 : i32
    %dma_start3A_17 = arith.constant 0 : i32
    %dma_start3A_18 = tpu.memref_slice %arg2[%dma_start3A_16, %dma_start3A_17] : memref<100000x128xf32, #tpu.memory_space<hbm>> -> memref<100000x128xf32, #tpu.memory_space<hbm>>
    tpu.enqueue_indirect_dma source(%dma_start3A_18 : memref<100000x128xf32, #tpu.memory_space<hbm>>) target(%arg11 : memref<128x128xf32, #tpu.memory_space<vmem>>) offsets(%dma_start3A_15 : memref<128xi32, #tpu.memory_space<vmem>>) semaphore(%arg15 : memref<!tpu.dma_semaphore, #tpu.memory_space<semaphore_mem>>)
    %dma_start3A_19 = arith.constant 128 : i32
    %dma_start3A_20 = tpu.memref_slice %arg7[%dma_start3A_19] : memref<256xi32, #tpu.memory_space<vmem>> -> memref<128xi32, #tpu.memory_space<vmem>>
    %dma_start3A_21 = arith.constant 0 : i32
    %dma_start3A_22 = arith.constant 0 : i32
    %dma_start3A_23 = tpu.memref_slice %arg2[%dma_start3A_21, %dma_start3A_22] : memref<100000x128xf32, #tpu.memory_space<hbm>> -> memref<100000x128xf32, #tpu.memory_space<hbm>>
    tpu.enqueue_indirect_dma source(%dma_start3A_23 : memref<100000x128xf32, #tpu.memory_space<hbm>>) target(%arg10 : memref<128x128xf32, #tpu.memory_space<vmem>>) offsets(%dma_start3A_20 : memref<128xi32, #tpu.memory_space<vmem>>) semaphore(%arg14 : memref<!tpu.dma_semaphore, #tpu.memory_space<semaphore_mem>>)
    %dma_start3A_24 = arith.constant 128 : i32
    %dma_start3A_25 = tpu.memref_slice %arg8[%dma_start3A_24] : memref<256xi32, #tpu.memory_space<vmem>> -> memref<128xi32, #tpu.memory_space<vmem>>
    %dma_start3A_26 = arith.constant 0 : i32
    %dma_start3A_27 = arith.constant 0 : i32
    %dma_start3A_28 = tpu.memref_slice %arg2[%dma_start3A_26, %dma_start3A_27] : memref<100000x128xf32, #tpu.memory_space<hbm>> -> memref<100000x128xf32, #tpu.memory_space<hbm>>
    tpu.enqueue_indirect_dma source(%dma_start3A_28 : memref<100000x128xf32, #tpu.memory_space<hbm>>) target(%arg12 : memref<128x128xf32, #tpu.memory_space<vmem>>) offsets(%dma_start3A_25 : memref<128xi32, #tpu.memory_space<vmem>>) semaphore(%arg16 : memref<!tpu.dma_semaphore, #tpu.memory_space<semaphore_mem>>)
    %dma_wait3A_29 = arith.constant 0 : i32
    %dma_wait3A_30 = tpu.memref_slice %arg7[%dma_wait3A_29] : memref<256xi32, #tpu.memory_space<vmem>> -> memref<128xi32, #tpu.memory_space<vmem>>
    %dma_wait3A_31 = arith.constant 0 : i32
    %dma_wait3A_32 = arith.constant 0 : i32
    %dma_wait3A_33 = tpu.memref_slice %arg2[%dma_wait3A_31, %dma_wait3A_32] : memref<100000x128xf32, #tpu.memory_space<hbm>> -> memref<100000x128xf32, #tpu.memory_space<hbm>>
    tpu.wait_indirect_dma semaphore(%arg13 : memref<!tpu.dma_semaphore, #tpu.memory_space<semaphore_mem>>) src(%dma_wait3A_33 : memref<100000x128xf32, #tpu.memory_space<hbm>>) dst(%arg9 : memref<128x128xf32, #tpu.memory_space<vmem>>)
    %dma_wait3A_34 = arith.constant 0 : i32
    %dma_wait3A_35 = tpu.memref_slice %arg8[%dma_wait3A_34] : memref<256xi32, #tpu.memory_space<vmem>> -> memref<128xi32, #tpu.memory_space<vmem>>
    %dma_wait3A_36 = arith.constant 0 : i32
    %dma_wait3A_37 = arith.constant 0 : i32
    %dma_wait3A_38 = tpu.memref_slice %arg2[%dma_wait3A_36, %dma_wait3A_37] : memref<100000x128xf32, #tpu.memory_space<hbm>> -> memref<100000x128xf32, #tpu.memory_space<hbm>>
    tpu.wait_indirect_dma semaphore(%arg15 : memref<!tpu.dma_semaphore, #tpu.memory_space<semaphore_mem>>) src(%dma_wait3A_38 : memref<100000x128xf32, #tpu.memory_space<hbm>>) dst(%arg11 : memref<128x128xf32, #tpu.memory_space<vmem>>)
    %add3A_39 = arith.constant 0 : i32
    %add3A_40 = arith.addi %mul3A_2, %add3A_39 : i32
    %dma_start3A_41 = arith.constant 0 : i32
    %dma_start3A_42 = tpu.memref_slice %arg5[%add3A_40, %dma_start3A_41] : memref<8192x128xf32, #tpu.memory_space<hbm>> -> memref<128x128xf32, #tpu.memory_space<hbm>>
    %dma_start3A_43 = arith.constant 0 : i32
    %dma_start3A_44 = tpu.memref_slice %arg5[%add3A_40, %dma_start3A_43] : memref<8192x128xf32, #tpu.memory_space<hbm>> -> memref<128x128xf32, #tpu.memory_space<hbm>>
    tpu.enqueue_dma source(%arg9 : memref<128x128xf32, #tpu.memory_space<vmem>>) target(%dma_start3A_44 : memref<128x128xf32, #tpu.memory_space<hbm>>) target_semaphore(%arg17 : memref<!tpu.dma_semaphore, #tpu.memory_space<semaphore_mem>>)
    %add3A_45 = arith.constant 0 : i32
    %add3A_46 = arith.addi %mul3A_2, %add3A_45 : i32
    %dma_start3A_47 = arith.constant 0 : i32
    %dma_start3A_48 = tpu.memref_slice %arg6[%add3A_46, %dma_start3A_47] : memref<8192x128xf32, #tpu.memory_space<hbm>> -> memref<128x128xf32, #tpu.memory_space<hbm>>
    %dma_start3A_49 = arith.constant 0 : i32
    %dma_start3A_50 = tpu.memref_slice %arg6[%add3A_46, %dma_start3A_49] : memref<8192x128xf32, #tpu.memory_space<hbm>> -> memref<128x128xf32, #tpu.memory_space<hbm>>
    tpu.enqueue_dma source(%arg11 : memref<128x128xf32, #tpu.memory_space<vmem>>) target(%dma_start3A_50 : memref<128x128xf32, #tpu.memory_space<hbm>>) target_semaphore(%arg19 : memref<!tpu.dma_semaphore, #tpu.memory_space<semaphore_mem>>)
    %dma_wait3A_51 = arith.constant 128 : i32
    %dma_wait3A_52 = tpu.memref_slice %arg7[%dma_wait3A_51] : memref<256xi32, #tpu.memory_space<vmem>> -> memref<128xi32, #tpu.memory_space<vmem>>
    %dma_wait3A_53 = arith.constant 0 : i32
    %dma_wait3A_54 = arith.constant 0 : i32
    %dma_wait3A_55 = tpu.memref_slice %arg2[%dma_wait3A_53, %dma_wait3A_54] : memref<100000x128xf32, #tpu.memory_space<hbm>> -> memref<100000x128xf32, #tpu.memory_space<hbm>>
    tpu.wait_indirect_dma semaphore(%arg14 : memref<!tpu.dma_semaphore, #tpu.memory_space<semaphore_mem>>) src(%dma_wait3A_55 : memref<100000x128xf32, #tpu.memory_space<hbm>>) dst(%arg10 : memref<128x128xf32, #tpu.memory_space<vmem>>)
    %dma_wait3A_56 = arith.constant 128 : i32
    %dma_wait3A_57 = tpu.memref_slice %arg8[%dma_wait3A_56] : memref<256xi32, #tpu.memory_space<vmem>> -> memref<128xi32, #tpu.memory_space<vmem>>
    %dma_wait3A_58 = arith.constant 0 : i32
    %dma_wait3A_59 = arith.constant 0 : i32
    %dma_wait3A_60 = tpu.memref_slice %arg2[%dma_wait3A_58, %dma_wait3A_59] : memref<100000x128xf32, #tpu.memory_space<hbm>> -> memref<100000x128xf32, #tpu.memory_space<hbm>>
    tpu.wait_indirect_dma semaphore(%arg16 : memref<!tpu.dma_semaphore, #tpu.memory_space<semaphore_mem>>) src(%dma_wait3A_60 : memref<100000x128xf32, #tpu.memory_space<hbm>>) dst(%arg12 : memref<128x128xf32, #tpu.memory_space<vmem>>)
    %add3A_61 = arith.constant 128 : i32
    %add3A_62 = arith.addi %mul3A_2, %add3A_61 : i32
    %dma_start3A_63 = arith.constant 0 : i32
    %dma_start3A_64 = tpu.memref_slice %arg5[%add3A_62, %dma_start3A_63] : memref<8192x128xf32, #tpu.memory_space<hbm>> -> memref<128x128xf32, #tpu.memory_space<hbm>>
    %dma_start3A_65 = arith.constant 0 : i32
    %dma_start3A_66 = tpu.memref_slice %arg5[%add3A_62, %dma_start3A_65] : memref<8192x128xf32, #tpu.memory_space<hbm>> -> memref<128x128xf32, #tpu.memory_space<hbm>>
    tpu.enqueue_dma source(%arg10 : memref<128x128xf32, #tpu.memory_space<vmem>>) target(%dma_start3A_66 : memref<128x128xf32, #tpu.memory_space<hbm>>) target_semaphore(%arg18 : memref<!tpu.dma_semaphore, #tpu.memory_space<semaphore_mem>>)
    %add3A_67 = arith.constant 128 : i32
    %add3A_68 = arith.addi %mul3A_2, %add3A_67 : i32
    %dma_start3A_69 = arith.constant 0 : i32
    %dma_start3A_70 = tpu.memref_slice %arg6[%add3A_68, %dma_start3A_69] : memref<8192x128xf32, #tpu.memory_space<hbm>> -> memref<128x128xf32, #tpu.memory_space<hbm>>
    %dma_start3A_71 = arith.constant 0 : i32
    %dma_start3A_72 = tpu.memref_slice %arg6[%add3A_68, %dma_start3A_71] : memref<8192x128xf32, #tpu.memory_space<hbm>> -> memref<128x128xf32, #tpu.memory_space<hbm>>
    tpu.enqueue_dma source(%arg12 : memref<128x128xf32, #tpu.memory_space<vmem>>) target(%dma_start3A_72 : memref<128x128xf32, #tpu.memory_space<hbm>>) target_semaphore(%arg20 : memref<!tpu.dma_semaphore, #tpu.memory_space<semaphore_mem>>)
    %dma_wait3A_73 = arith.constant 0 : i32
    %dma_wait3A_74 = tpu.memref_slice %arg5[%add3A_40, %dma_wait3A_73] : memref<8192x128xf32, #tpu.memory_space<hbm>> -> memref<128x128xf32, #tpu.memory_space<hbm>>
    %dma_wait3A_75 = arith.constant 0 : i32
    %dma_wait3A_76 = tpu.memref_slice %arg5[%add3A_40, %dma_wait3A_75] : memref<8192x128xf32, #tpu.memory_space<hbm>> -> memref<128x128xf32, #tpu.memory_space<hbm>>
    tpu.wait_dma2 semaphore(%arg17 : memref<!tpu.dma_semaphore, #tpu.memory_space<semaphore_mem>>) src(%arg9 : memref<128x128xf32, #tpu.memory_space<vmem>>) dst(%dma_wait3A_76 : memref<128x128xf32, #tpu.memory_space<hbm>>)
    %dma_wait3A_77 = arith.constant 0 : i32
    %dma_wait3A_78 = tpu.memref_slice %arg6[%add3A_46, %dma_wait3A_77] : memref<8192x128xf32, #tpu.memory_space<hbm>> -> memref<128x128xf32, #tpu.memory_space<hbm>>
    %dma_wait3A_79 = arith.constant 0 : i32
    %dma_wait3A_80 = tpu.memref_slice %arg6[%add3A_46, %dma_wait3A_79] : memref<8192x128xf32, #tpu.memory_space<hbm>> -> memref<128x128xf32, #tpu.memory_space<hbm>>
    tpu.wait_dma2 semaphore(%arg19 : memref<!tpu.dma_semaphore, #tpu.memory_space<semaphore_mem>>) src(%arg11 : memref<128x128xf32, #tpu.memory_space<vmem>>) dst(%dma_wait3A_80 : memref<128x128xf32, #tpu.memory_space<hbm>>)
    %dma_wait3A_81 = arith.constant 0 : i32
    %dma_wait3A_82 = tpu.memref_slice %arg5[%add3A_62, %dma_wait3A_81] : memref<8192x128xf32, #tpu.memory_space<hbm>> -> memref<128x128xf32, #tpu.memory_space<hbm>>
    %dma_wait3A_83 = arith.constant 0 : i32
    %dma_wait3A_84 = tpu.memref_slice %arg5[%add3A_62, %dma_wait3A_83] : memref<8192x128xf32, #tpu.memory_space<hbm>> -> memref<128x128xf32, #tpu.memory_space<hbm>>
    tpu.wait_dma2 semaphore(%arg18 : memref<!tpu.dma_semaphore, #tpu.memory_space<semaphore_mem>>) src(%arg10 : memref<128x128xf32, #tpu.memory_space<vmem>>) dst(%dma_wait3A_84 : memref<128x128xf32, #tpu.memory_space<hbm>>)
    %dma_wait3A_85 = arith.constant 0 : i32
    %dma_wait3A_86 = tpu.memref_slice %arg6[%add3A_68, %dma_wait3A_85] : memref<8192x128xf32, #tpu.memory_space<hbm>> -> memref<128x128xf32, #tpu.memory_space<hbm>>
    %dma_wait3A_87 = arith.constant 0 : i32
    %dma_wait3A_88 = tpu.memref_slice %arg6[%add3A_68, %dma_wait3A_87] : memref<8192x128xf32, #tpu.memory_space<hbm>> -> memref<128x128xf32, #tpu.memory_space<hbm>>
    tpu.wait_dma2 semaphore(%arg20 : memref<!tpu.dma_semaphore, #tpu.memory_space<semaphore_mem>>) src(%arg12 : memref<128x128xf32, #tpu.memory_space<vmem>>) dst(%dma_wait3A_88 : memref<128x128xf32, #tpu.memory_space<hbm>>)
    return
  }
}

module attributes {stable_mosaic.version = 14 : i64} {
  func.func @_mlp_body(%arg0: i32, %arg1: memref<2048x128xf32, #tpu.memory_space<vmem>>, %arg2: memref<2048x128xf32, #tpu.memory_space<vmem>>, %arg3: memref<64x8xf32, #tpu.memory_space<vmem>>, %arg4: memref<64x8xf32, #tpu.memory_space<vmem>>, %arg5: memref<64x8xf32, #tpu.memory_space<vmem>>, %arg6: memref<1x8xf32, #tpu.memory_space<vmem>>, %arg7: memref<8x1xf32, #tpu.memory_space<vmem>>, %arg8: memref<1x1xf32, #tpu.memory_space<vmem>>, %arg9: memref<2048x1xf32, #tpu.memory_space<vmem>>) attributes {dimension_semantics = [#tpu.dimension_semantics<arbitrary>], iteration_bounds = array<i64: 4>, scalar_prefetch = 0 : i64, scratch_operands = 0 : i64, tpu.core_type = #tpu.core_type<tc>, window_params = [{transform_indices = @transform_0, window_bounds = array<i64: 2048, 128>}, {transform_indices = @transform_1, window_bounds = array<i64: 2048, 128>}, {pipeline_mode = #tpu.pipeline_mode<synchronous>, transform_indices = @transform_2, window_bounds = array<i64: 64, 8>}, {pipeline_mode = #tpu.pipeline_mode<synchronous>, transform_indices = @transform_3, window_bounds = array<i64: 64, 8>}, {pipeline_mode = #tpu.pipeline_mode<synchronous>, transform_indices = @transform_4, window_bounds = array<i64: 64, 8>}, {pipeline_mode = #tpu.pipeline_mode<synchronous>, transform_indices = @transform_5, window_bounds = array<i64: 1, 8>}, {pipeline_mode = #tpu.pipeline_mode<synchronous>, transform_indices = @transform_6, window_bounds = array<i64: 8, 1>}, {pipeline_mode = #tpu.pipeline_mode<synchronous>, transform_indices = @transform_7, window_bounds = array<i64: 1, 1>}, {transform_indices = @transform_8, window_bounds = array<i64: 2048, 1>}]} {
    %get3A = arith.constant 0 : index
    %get3A_0 = arith.constant 0 : index
    %get3A_1 = vector.load %arg1[%get3A, %get3A_0] : memref<2048x128xf32, #tpu.memory_space<vmem>>, vector<2048x64xf32>
    %get3A_2 = arith.constant 0 : index
    %get3A_3 = arith.constant 64 : index
    %get3A_4 = vector.load %arg2[%get3A_2, %get3A_3] : memref<2048x128xf32, #tpu.memory_space<vmem>>, vector<2048x64xf32>
    %mul3A = arith.mulf %get3A_1, %get3A_4 : vector<2048x64xf32>
    %get3A_5 = arith.constant 0 : index
    %get3A_6 = arith.constant 0 : index
    %get3A_7 = vector.load %arg3[%get3A_5, %get3A_6] : memref<64x8xf32, #tpu.memory_space<vmem>>, vector<64x8xf32>
    %dot_general3A = arith.constant dense<0.000000e+00> : vector<2048x8xf32>
    %dot_general3A_8 = tpu.matmul %mul3A, %get3A_7, %dot_general3A {dimension_numbers = #tpu.dot_dimension_numbers<[1], [0], [0], [1], [0, 0, 1, 1], [], []>, transpose_lhs_hint = false} : vector<2048x64xf32>, vector<64x8xf32>, vector<2048x8xf32> -> vector<2048x8xf32>
    %get3A_9 = arith.constant 0 : index
    %get3A_10 = arith.constant 0 : index
    %get3A_11 = vector.load %arg4[%get3A_9, %get3A_10] : memref<64x8xf32, #tpu.memory_space<vmem>>, vector<64x8xf32>
    %dot_general3A_12 = arith.constant dense<0.000000e+00> : vector<2048x8xf32>
    %dot_general3A_13 = tpu.matmul %get3A_1, %get3A_11, %dot_general3A_12 {dimension_numbers = #tpu.dot_dimension_numbers<[1], [0], [0], [1], [0, 0, 1, 1], [], []>, transpose_lhs_hint = false} : vector<2048x64xf32>, vector<64x8xf32>, vector<2048x8xf32> -> vector<2048x8xf32>
    %add3A = arith.addf %dot_general3A_8, %dot_general3A_13 : vector<2048x8xf32>
    %get3A_14 = arith.constant 0 : index
    %get3A_15 = arith.constant 0 : index
    %get3A_16 = vector.load %arg5[%get3A_14, %get3A_15] : memref<64x8xf32, #tpu.memory_space<vmem>>, vector<64x8xf32>
    %dot_general3A_17 = arith.constant dense<0.000000e+00> : vector<2048x8xf32>
    %dot_general3A_18 = tpu.matmul %get3A_4, %get3A_16, %dot_general3A_17 {dimension_numbers = #tpu.dot_dimension_numbers<[1], [0], [0], [1], [0, 0, 1, 1], [], []>, transpose_lhs_hint = false} : vector<2048x64xf32>, vector<64x8xf32>, vector<2048x8xf32> -> vector<2048x8xf32>
    %add3A_19 = arith.addf %add3A, %dot_general3A_18 : vector<2048x8xf32>
    %get3A_20 = arith.constant 0 : index
    %get3A_21 = arith.constant 0 : index
    %get3A_22 = vector.load %arg6[%get3A_20, %get3A_21] : memref<1x8xf32, #tpu.memory_space<vmem>>, vector<1x8xf32>
    %add3A_23 = vector.broadcast %get3A_22 : vector<1x8xf32> to vector<2048x8xf32>
    %add3A_24 = arith.addf %add3A_19, %add3A_23 : vector<2048x8xf32>
    %max3A = arith.constant 0.000000e+00 : f32
    %max3A_25 = vector.broadcast %max3A : f32 to vector<2048x8xf32>
    %max3A_26 = arith.maximumf %add3A_24, %max3A_25 : vector<2048x8xf32>
    %get3A_27 = arith.constant 0 : index
    %get3A_28 = arith.constant 0 : index
    %get3A_29 = vector.load %arg7[%get3A_27, %get3A_28] : memref<8x1xf32, #tpu.memory_space<vmem>>, vector<8x1xf32>
    %dot_general3A_30 = arith.constant dense<0.000000e+00> : vector<2048x1xf32>
    %dot_general3A_31 = tpu.matmul %max3A_26, %get3A_29, %dot_general3A_30 {dimension_numbers = #tpu.dot_dimension_numbers<[1], [0], [0], [1], [0, 0, 1, 1], [], []>, transpose_lhs_hint = false} : vector<2048x8xf32>, vector<8x1xf32>, vector<2048x1xf32> -> vector<2048x1xf32>
    %get3A_32 = arith.constant 0 : index
    %get3A_33 = arith.constant 0 : index
    %get3A_34 = vector.load %arg8[%get3A_32, %get3A_33] : memref<1x1xf32, #tpu.memory_space<vmem>>, vector<1x1xf32>
    %add3A_35 = vector.broadcast %get3A_34 : vector<1x1xf32> to vector<2048x1xf32>
    %add3A_36 = arith.addf %dot_general3A_31, %add3A_35 : vector<2048x1xf32>
    %logistic3A = arith.negf %add3A_36 : vector<2048x1xf32>
    %logistic3A_37 = math.exp %logistic3A : vector<2048x1xf32>
    %logistic3A_38 = arith.constant 1.000000e+00 : f32
    %logistic3A_39 = vector.broadcast %logistic3A_38 : f32 to vector<2048x1xf32>
    %logistic3A_40 = arith.addf %logistic3A_39, %logistic3A_37 : vector<2048x1xf32>
    %logistic3A_41 = arith.divf %logistic3A_39, %logistic3A_40 : vector<2048x1xf32>
    %swap3A = arith.constant 0 : index
    %swap3A_42 = arith.constant 0 : index
    %swap3A_43 = vector.load %arg9[%swap3A, %swap3A_42] : memref<2048x1xf32, #tpu.memory_space<vmem>>, vector<2048x1xf32>
    tpu.vector_store %arg9[%swap3A, %swap3A_42], %logistic3A_41 {strides = array<i32>} : memref<2048x1xf32, #tpu.memory_space<vmem>>, vector<2048x1xf32>,
    return
  }
  func.func @transform_0(%arg0: i32) -> (i32, i32) {
    %c0_i32 = arith.constant 0 : i32
    %c0_i32_0 = arith.constant 0 : i32
    return %arg0, %c0_i32 : i32, i32
  }
  func.func @transform_1(%arg0: i32) -> (i32, i32) {
    %c0_i32 = arith.constant 0 : i32
    %c0_i32_0 = arith.constant 0 : i32
    return %arg0, %c0_i32 : i32, i32
  }
  func.func @transform_2(%arg0: i32) -> (i32, i32) {
    %c0_i32 = arith.constant 0 : i32
    %c0_i32_0 = arith.constant 0 : i32
    %c0_i32_1 = arith.constant 0 : i32
    return %c0_i32, %c0_i32_0 : i32, i32
  }
  func.func @transform_3(%arg0: i32) -> (i32, i32) {
    %c0_i32 = arith.constant 0 : i32
    %c0_i32_0 = arith.constant 0 : i32
    %c0_i32_1 = arith.constant 0 : i32
    return %c0_i32, %c0_i32_0 : i32, i32
  }
  func.func @transform_4(%arg0: i32) -> (i32, i32) {
    %c0_i32 = arith.constant 0 : i32
    %c0_i32_0 = arith.constant 0 : i32
    %c0_i32_1 = arith.constant 0 : i32
    return %c0_i32, %c0_i32_0 : i32, i32
  }
  func.func @transform_5(%arg0: i32) -> (i32, i32) {
    %c0_i32 = arith.constant 0 : i32
    %c0_i32_0 = arith.constant 0 : i32
    %c0_i32_1 = arith.constant 0 : i32
    return %c0_i32, %c0_i32_0 : i32, i32
  }
  func.func @transform_6(%arg0: i32) -> (i32, i32) {
    %c0_i32 = arith.constant 0 : i32
    %c0_i32_0 = arith.constant 0 : i32
    %c0_i32_1 = arith.constant 0 : i32
    return %c0_i32, %c0_i32_0 : i32, i32
  }
  func.func @transform_7(%arg0: i32) -> (i32, i32) {
    %c0_i32 = arith.constant 0 : i32
    %c0_i32_0 = arith.constant 0 : i32
    %c0_i32_1 = arith.constant 0 : i32
    return %c0_i32, %c0_i32_0 : i32, i32
  }
  func.func @transform_8(%arg0: i32) -> (i32, i32) {
    %c0_i32 = arith.constant 0 : i32
    %c0_i32_0 = arith.constant 0 : i32
    return %arg0, %c0_i32 : i32, i32
  }
}

</mosaic_0001>

<sc_bundles>
// kernel: kernel.6.cloned.1.call-start
scs
__scs_entry_jumppad:
0x0: {  	(pc) =	sbr.rel $0x88, $3  }
0x1: {  	(tag) =	ssettag $0x0;
	lr =	simm.s32 $0x1  }
0x2: {  	[smem:$0x3F99] =	sst lr;
	_ =	strace $0xD0000000  }
0x3: {  	_ = 	snop  }
0x4: {  	_ = 	snop  }
0x5: {  	_ = 	snop  }
0x6: {  	_ = 	snop  }
0x7: {  	_ = 	snop  }
__scs_overlays_trampoline_lowered:
0x8: {  	[smem:$0x3FA8] =	sst s0  }
0x9: {  	[smem:$0x3FA9] =	sst s1  }
0xa: {  	[smem:$0x3FAA] =	sst s2  }
0xb: {  	[smem:$0x3FAB] =	sst s3  }
0xc: {  	[smem:$0x3FAC] =	sst s4  }
0xd: {  	[smem:$0x3FAD] =	sst s5  }
0xe: {  	[smem:$0x3FAE] =	sst s6  }
0xf: {  	[smem:$0x3FAF] =	sst s7  }
0x10: {  	[smem:$0x3FB0] =	sst s8  }
0x11: {  	[smem:$0x3FB1] =	sst s9;
	s0 =	simm.s32 @!p0 $0x0  }
0x12: {  	s1 =	sld [smem:$0x3F97];
	s0 =	simm.s32 @p0 $0x1  }
0x13: {  	[smem:$0x3FB2] =	sst s0;
	s0 =	simm.s32 @!p1 $0x0  }
0x14: {  	s2 =	sld [smem:$0x3F96];
	s0 =	simm.s32 @p1 $0x1  }
0x15: {  	[smem:$0x3FB3] =	sst s0;
	s0 =	simm.s32 @!p2 $0x0  }
0x16: {  	s3 =	sld [smem:$0x3FDB];
	s0 =	simm.s32 @p2 $0x1  }
0x17: {  	s4 =	simm.s32 $0x1BF5;
	[smem:$0x3FB5] =	sst s0  }
0x18: {  	s0 =	sld [smem:$0x3F98];
	_ =	swait.ge [sflag:s4], $0x0  }
0x19: {  	s7 =	sld [smem:$0x3F99]  }
0x1a: {  	s8 =	sadd.s32 $0xFFFFE003, lr  }
0x1b: {  	s9 =	sadd.s32 $0xFFFFFEF7, lr;
	s5 =	simm.s32 $0xFFFFFFFF;
	p2 =	slt.u32 s8, $0xFFFFF086  }
0x1c: {  	p1 =	slt.u32 s9, $0xF7A;
	s5 =	simm.s32 @!p2 $0x0  }
0x1d: {  	s5 =	simm.s32 @p1 $0x1;
	p0 =	seq.s32 s7, s2  }
0x1e: {  	s7 =	smul.u32 @!p0 $0xF7A, s2;
	p2 =	seq.s32 @!p0 s5, $0x0  }
0x1f: {  	s9 =	smul.u32 $0xF7A, s1;
	s8 =	simm.s32 @!p0 $0x1BF5;
	p2 =	por !p2, p0  }
0x20: {  	[sflag:s8] =	ssyncset.s32 @!p0 $0xFFFFF086;
	s6 =	sadd.s32 @!p0 s3, s7;
	s7 =	simm.s32 @!p0 $0x108  }
0x21: {  	s3 =	sadd.s32 s3, s9;
	s6 =	sadd.s32 @!p0 $0x88, s6;
	s7 =	simm.s32 @p2 $0x1082  }
0x22: {  	[simem:s7], [sflag:s8] =	dma.local @!p0 [hbm:s6], $0xF7A  }
0x23: {  	s9 =	sor.u32 $0xD0000000, s2;
	s6 =	simm.s32 $0x108;
	_ =	swait.ge @!p0 [sflag:s8], $0x0  }
0x24: {  	s3 =	sadd.s32 $0x88, s3;
	s6 =	simm.s32 @!p1 $0x1082;
	[sflag:s4] =	ssyncset.s32 $0xFFFFF086  }
0x25: {  	[simem:s6], [sflag:s4] =	dma.local [hbm:s3], $0xF7A  }
0x26: {  	[smem:$0x3F99] =	sst s1;
	(tag) =	ssettag s2;
	_ =	strace s9  }
0x27: {  	s1 =	sld [smem:$0x3FA9]  }
0x28: {  	s2 =	sld [smem:$0x3FAA]  }
0x29: {  	s4 =	sld [smem:$0x3FAC]  }
0x2a: {  	p0 =	seq.s32 s5, $0x0;
	s5 =	sld [smem:$0x3FAD]  }
0x2b: {  	s6 =	sld [smem:$0x3FAE]  }
0x2c: {  	s7 =	sld [smem:$0x3FAF]  }
0x2d: {  	s3 =	simm.s32 $0x108;
	s8 =	sld [smem:$0x3FB0]  }
0x2e: {  	s3 =	simm.s32 @!p0 $0x1082;
	s9 =	sld [smem:$0x3FB1]  }
0x2f: {  	lr =	sadd.s32 s0, s3;
	s0 =	sld [smem:$0x3FA8]  }
0x30: {  	s3 =	sld [smem:$0x3FAB]  }
0x31: {  	[smem:$0x3FB4] =	sst s10  }
0x32: {  	s10 =	sld [smem:$0x3FB2];
	_ =	sdelay $0x3  }
0x33: {  	p0 =	seq.s32 s10, $0x1;
	s10 =	sld [smem:$0x3FB4];
	_ =	sdelay $0x3  }
0x34: {  	[smem:$0x3FB4] =	sst s10  }
0x35: {  	s10 =	sld [smem:$0x3FB3];
	_ =	sdelay $0x3  }
0x36: {  	p1 =	seq.s32 s10, $0x1;
	s10 =	sld [smem:$0x3FB4];
	_ =	sdelay $0x3  }
0x37: {  	[smem:$0x3FB4] =	sst s10  }
0x38: {  	s10 =	sld [smem:$0x3FB5]  }
0x39: {  	_ = 	snop;
	(pc) =	sbr.ind lr, $3  }
0x3a: {  	_ = 	snop  }
0x3b: {  	_ = 	snop  }
0x3c: {  	p2 =	seq.s32 s10, $0x1;
	s10 =	sld [smem:$0x3FB4]  }
0x3d: {  	_ =	shalt  }
0x3e: {  	_ =	shalt  }
0x3f: {  	_ =	shalt  }
0x40: {  	_ =	shalt  }
0x41: {  	_ =	shalt  }
0x42: {  	_ =	shalt  }
0x43: {  	_ =	shalt  }
0x44: {  	_ =	shalt  }
0x45: {  	_ =	shalt  }
0x46: {  	_ =	shalt  }
0x47: {  	_ =	shalt  }
0x48: {  	_ =	shalt  }
0x49: {  	_ =	shalt  }
0x4a: {  	_ =	shalt  }
0x4b: {  	_ =	shalt  }
0x4c: {  	_ =	shalt  }
0x4d: {  	_ =	shalt  }
0x4e: {  	_ =	shalt  }
0x4f: {  	_ =	shalt  }
0x50: {  	_ =	shalt  }
0x51: {  	_ =	shalt  }
0x52: {  	_ =	shalt  }
0x53: {  	_ =	shalt  }
0x54: {  	_ =	shalt  }
0x55: {  	_ =	shalt  }
0x56: {  	_ =	shalt  }
0x57: {  	_ =	shalt  }
0x58: {  	_ =	shalt  }
0x59: {  	_ =	shalt  }
0x5a: {  	_ =	shalt  }
0x5b: {  	_ =	shalt  }
0x5c: {  	_ =	shalt  }
0x5d: {  	_ =	shalt  }
0x5e: {  	_ =	shalt  }
0x5f: {  	_ =	shalt  }
0x60: {  	_ =	shalt  }
0x61: {  	_ =	shalt  }
0x62: {  	_ =	shalt  }
0x63: {  	_ =	shalt  }
0x64: {  	_ =	shalt  }
0x65: {  	_ =	shalt  }
0x66: {  	_ =	shalt  }
0x67: {  	_ =	shalt  }
0x68: {  	_ =	shalt  }
0x69: {  	_ =	shalt  }
0x6a: {  	_ =	shalt  }
0x6b: {  	_ =	shalt  }
0x6c: {  	_ =	shalt  }
0x6d: {  	_ =	shalt  }
0x6e: {  	_ =	shalt  }
0x6f: {  	_ =	shalt  }
0x70: {  	_ =	shalt  }
0x71: {  	_ =	shalt  }
0x72: {  	_ =	shalt  }
0x73: {  	_ =	shalt  }
0x74: {  	_ =	shalt  }
0x75: {  	_ =	shalt  }
0x76: {  	_ =	shalt  }
0x77: {  	_ =	shalt  }
0x78: {  	_ =	shalt  }
0x79: {  	_ =	shalt  }
0x7a: {  	_ =	shalt  }
0x7b: {  	_ =	shalt  }
0x7c: {  	_ =	shalt  }
0x7d: {  	_ =	shalt  }
0x7e: {  	_ =	shalt  }
0x7f: {  	_ =	shalt  }
0x80: {  	_ =	shalt  }
0x81: {  	_ =	shalt  }
0x82: {  	_ =	shalt  }
0x83: {  	_ =	shalt  }
0x84: {  	_ =	shalt  }
0x85: {  	_ =	shalt  }
0x86: {  	_ =	shalt  }
0x87: {  	_ =	shalt  }
.Lfunc_end0:
.L_simem_size_0:
called_computation_lowered:
.L_overlay_start_0:
0x88: {  	s2 =	sld [smem:$0x3FD9]  }
0x89: {  	s3 =	sld [smem:$0x3FFE];
	_ =	sdelay $0x1  }
0x8a: {  	s1 =	srdreg.scid  }
0x8b: {  	s0 =	sand.u32 $0x1, s1  }
0x8c: {  	s17 =	sshll.u32 s0, $0xA;
	s2 =	sadd.s32 s3, s2  }
0x8d: {  	s2 =	sadd.s32 s2, s17  }
0x8e: {  	[smem:$0x3FC0] =	sst s2  }
0x8f: {  	_ = 	snop  }
0x90: {  	s18 =	sld [smem:$0x3FD0];
	(tm) =	ssettm $0x1  }
0x91: {  	s19 =	sld [smem:$0x3FFB];
	_ =	sdelay $0x3  }
0x92: {  	_ =	strace s19  }
0x93: {  	s2 =	sld [smem:$0x3FFC];
	_ =	sdelay $0x3  }
0x94: {  	_ =	strace s2  }
0x95: {  	s2 =	sld [smem:$0x3FFD];
	_ =	sdelay $0x3  }
0x96: {  	_ =	strace s2  }
0x97: {  	_ =	strace $0x8FFFFFFF  }
0x98: {  	s20 =	sld [smem:$0x3FDB];
	_ =	sdelay $0x1  }
0x99: {  	s4 =	simm.s32 $_scs_section_size  }
0x9a: {  	s5 =	simm.s32 $_size__tile_overlayer_lowered;
	s6 =	simm.s32 $_tile_overlayer_lowered  }
0x9b: {  	s7 =	simm.s32 $0x1BFF;
	s21 =	sshll.u32 s6, $0x1;
	s4 =	sadd.s32 s4, s20  }
0x9c: {  	s22 =	simm.s32 $0x0;
	s5 =	sshll.u32 s5, $0x1;
	s6 =	sadd.s32 s21, s4  }
0x9d: {  	[timem:s22], [sflag:s7] =	dma.local [hbm:s6], s5  }
0x9e: {  	_ =	swait.ge [sflag:s7], s5  }
0x9f: {  	s5 =	ssub.s32 $0x0, s5;
	[sflag:s7] =	ssyncset.done $0x0  }
0xa0: {  	[sflag:s7] =	ssyncadd.s32 s5;
	_ =	sdelay $0x1  }
0xa1: {  	s23 =	simm.s32 $0x1B8B  }
0xa2: {  	_ =	swait.ge [sflag:s23], $0x1  }
0xa3: {  	[sflag:s23] =	ssyncset.done $0x0  }
0xa4: {  	[sflag:s23] =	ssyncadd.s32 $0xFFFFFFFF  }
0xa5: {  	s5 =	sld [smem:$0x0]  }
0xa6: {  	s6 =	sand.u32 $0xFFFFFFFE, s1  }
0xa7: {  	p0 =	sne.s32 s1, s6  }
0xa8: {  	s6 =	sshll.u32 @p0 s6, $0xE  }
0xa9: {  	s6 =	sadd.s32 @p0 $0x11B8D, s6;
	s7 =	sshll.u32 @p0 s5, $0x11  }
0xaa: {  	s6 =	sor.u32 @p0 s7, s6  }
0xab: {  	[sflag:s6] =	ssyncadd.remote.s32 @p0 $0x1;
	_ =	sdelay $0x1  }
0xac: {  	s6 =	simm.s32 @p0 $0x1B8D  }
0xad: {  	_ =	swait.eq @p0 [sflag:s6], $0x1  }
0xae: {  	[sflag:s6] =	ssyncadd.s32 @p0 $0xFFFFFFFF  }
0xaf: {  	s7 =	sshll.u32 @!p0 s1, $0xE  }
0xb0: {  	s7 =	sor.u32 @!p0 $0x4000, s7;
	s6 =	simm.s32 @!p0 $0x1B8D  }
0xb1: {  	s5 =	sshll.u32 @!p0 s5, $0x11;
	s7 =	sadd.s32 @!p0 $0x11B8D, s7;
	_ =	swait.eq @!p0 [sflag:s6], $0x1  }
0xb2: {  	s5 =	sor.u32 @!p0 s5, s7;
	[sflag:s6] =	ssyncadd.s32 @!p0 $0xFFFFFFFF  }
0xb3: {  	s25 =	simm.s32 $0x1B8E;
	s24 =	sld [smem:$0x3FFE];
	[sflag:s5] =	ssyncadd.remote.s32 @!p0 $0x1  }
0xb4: {  	s26 =	simm.s32 $execute0_lowered;
	[smem:$0x3FD2] =	sst s25  }
0xb5: {  	s6 =	sshll.u32 s26, $0x1;
	_ =	strace $0x80000049;
	[dreg:$0x1] =	wrdreg $0xFFFFFFFF  }
0xb6: {  	s28 =	simm.s32 $_size_execute0_lowered;
	s4 =	sadd.s32 s4, s6;
	[dreg:$0x0] =	wrdreg $0x0  }
0xb7: {  	s6 =	sshll.u32 s28, $0x1;
	[dreg:$0x2] =	wrdreg s4  }
0xb8: {  	[dreg:$0x3] =	wrdreg s6  }
0xb9: {  	[dreg:$0x4] =	wrdreg $0xC0  }
0xba: {  	_ =	task [dreg:s22], $0x5FFFF  }
0xbb: {  	[dreg:$0x1] =	wrdreg $0xFFFFFFFF  }
0xbc: {  	[dreg:$0x0] =	wrdreg $0x60  }
0xbd: {  	[dreg:$0x2] =	wrdreg s24  }
0xbe: {  	[dreg:$0x3] =	wrdreg s18  }
0xbf: {  	[dreg:$0x4] =	wrdreg $0x9  }
0xc0: {  	_ =	task.clear_ibuf [dreg:s22], $0x5FFFF;
	_ =	strace $0x90000049  }
0xc1: {  	s29 =	simm.s32 $0x9;
	_ =	strace $0x8000004B  }
0xc2: {  	_ =	swait.ge [sflag:s29], $0x1  }
0xc3: {  	[sflag:s29] =	ssyncadd.s32 $0xFFFFFFFF  }
0xc4: {  	_ =	strace $0x9000004B  }
0xc5: {  	_ =	sfence  }
0xc6: {  	s30 =	sld [smem:$0x0];
	_ =	sdelay $0x2  }
0xc7: {  	s31 =	sshll.u32 s1, $0xD;
	s1 =	sshrl.u32 s1, $0x2  }
0xc8: {  	s4 =	sand.u32 $0x4000, s31;
	s1 =	sadd.s32 s1, s30  }
0xc9: {  	s0 =	sor.u32 s4, s0;
	s1 =	sshll.u32 s1, $0x11  }
0xca: {  	s0 =	sor.u32 s1, s0  }
0xcb: {  	s0 =	sadd.s32 $0x8F2B, s0  }
0xcc: {  	[sflag:s0] =	ssyncadd.remote.s32 $0x1  }
0xcd: {  	_ =	sfence.sel $0xFFFF  }
0xce: {  	[dreg:$0x0] =	wrdreg $0xFFFFFFFF;
	(pc) =	sbr.abs _section_cstart, $3  }
0xcf: {  	[dreg:$0x1] =	wrdreg $0xFFFFFFFF  }
0xd0: {  	_ =	task.clear_ibuf [dreg:s22], $0x2FFFF;
	_ =	strace $0x9FFFFFFF  }
0xd1: {  	(tm) =	ssettm $0x7FFFFFFF  }
tec
execute0_lowered:
.L_overlay_start_1:
0x0: {  	(tag) =	ssettag $0x1  }
0x1: {  	s1 =	srdreg.scid  }
0x2: {  	s0 =	stileid.u32;
	s25 =	sand.u32 $0x1, s1  }
0x3: {  	s31 =	sshll.u32 s0, $0x9;
	s2 =	sshll.u32 s25, $0x8  }
0x4: {  	s17 =	rddreg [dreg:$0x0];
	s18 =	sor.u32 s2, s31  }
0x5: {  	s4 =	rddreg [dreg:$0x1];
	s2 =	simm.s32 $0x0;
	s5 =	sshrl.u32 s18, $0x3  }
0x6: {  	[smem:$0x7FF] =	sst s2;
	s3 =	sadd.s32 s5, s17  }
0x7: {  	s1 =	rddreg [dreg:$0x2];
	_ =	strace $0x8000004A;
	s3 =	sadd.s32 $0x4A00, s3  }
0x8: {  	[tilespmem:s2], [sflag:$0x9] =	stream.linear.gather [hbm4b:s3+s2], $0x100, $0x38;
	[tilespmem:$0x10200] =	vst v63  }
0x9: {  	s6 =	simm.s32 $0x9;
	s4 =	sadd.s32 s4, s5;
	s5 =	simm.s32 $0x100  }
0xa: {  	[tilespmem:s5], [sflag:$0xA] =	stream.linear.gather [hbm4b:s4+s2], $0x100, $0x38;
	[tilespmem:$0x10200] =	vst v63  }
0xb: {  	_ =	swait.ge [sflag:s6], $0x100  }
0xc: {  	[sflag:s6] =	ssyncset.done $0x0  }
0xd: {  	s7 =	simm.s32 $0xA;
	[sflag:s6] =	ssyncadd.s32 $0xFFFFFF00  }
0xe: {  	_ =	swait.ge [sflag:s7], $0x100  }
0xf: {  	s9 =	simm.s32 $0x80;
	[sflag:s7] =	ssyncset.done $0x0  }
0x10: {  	s10 =	simm.s32 $0x200;
	s8 =	sadd.s32 $0x311600, s17;
	[sflag:s7] =	ssyncadd.s32 $0xFFFFFF00  }
0x11: {  	[tilespmem:s10], [sflag:$0x1] =	stream.indirect.gather [hbm4b:s8+s9], $0x80, s2, s9, $0xb8;
	[tilespmem:$0x10200] =	vst v63  }
0x12: {  	s11 =	simm.s32 $0x8200  }
0x13: {  	[tilespmem:s11], [sflag:$0x3] =	stream.indirect.gather [hbm4b:s8+s9], $0x80, s5, s9, $0xb8;
	[tilespmem:$0x10200] =	vst v63  }
0x14: {  	s12 =	simm.s32 $0x4200  }
0x15: {  	[tilespmem:s12], [sflag:$0x2] =	stream.indirect.gather [hbm4b:s8+s9], $0x80, s9, s9, $0xb8;
	[tilespmem:$0x10200] =	vst v63  }
0x16: {  	s13 =	simm.s32 $0x180;
	s14 =	simm.s32 $0xC200;
	s15 =	simm.s32 $0x1  }
0x17: {  	[tilespmem:s14], [sflag:$0x4] =	stream.indirect.gather [hbm4b:s8+s9], $0x80, s13, s9, $0xb8;
	[tilespmem:$0x10200] =	vst v63  }
0x18: {  	_ =	swait.ge [sflag:s15], $0x4000  }
0x19: {  	[sflag:s15] =	ssyncset.done $0x0  }
0x1a: {  	s16 =	simm.s32 $0x3;
	[sflag:s15] =	ssyncadd.s32 $0xFFFFC000  }
0x1b: {  	_ =	swait.ge [sflag:s16], $0x4000  }
0x1c: {  	s21 =	sadd.s32 $0x44E00, s17;
	s22 =	sshll.u32 s18, $0x4;
	[sflag:s16] =	ssyncset.done $0x0  }
0x1d: {  	s23 =	sadd.s32 $0x64E00, s17;
	s17 =	sadd.s32 s21, s22;
	[sflag:s16] =	ssyncadd.s32 $0xFFFFC000  }
0x1e: {  	[hbm4b:s17+s2] =	stream.linear.scatter [tilespmem:s10], [sflag:$0x5], $0x4000, $0x38;
	[tilespmem:$0x10200] =	vst v63  }
0x1f: {  	s19 =	simm.s32 $0x2;
	s18 =	sadd.s32 s23, s22  }
0x20: {  	[hbm4b:s18+s2] =	stream.linear.scatter [tilespmem:s11], [sflag:$0x7], $0x4000, $0x38;
	[tilespmem:$0x10200] =	vst v63  }
0x21: {  	_ =	swait.ge [sflag:s19], $0x4000  }
0x22: {  	[sflag:s19] =	ssyncset.done $0x0  }
0x23: {  	s20 =	simm.s32 $0x4;
	[sflag:s19] =	ssyncadd.s32 $0xFFFFC000  }
0x24: {  	_ =	swait.ge [sflag:s20], $0x4000  }
0x25: {  	s22 =	sor.u32 $0x800, s22;
	[sflag:s20] =	ssyncset.done $0x0  }
0x26: {  	s21 =	sadd.s32 s21, s22;
	[sflag:s20] =	ssyncadd.s32 $0xFFFFC000  }
0x27: {  	[hbm4b:s21+s2] =	stream.linear.scatter [tilespmem:s12], [sflag:$0x6], $0x4000, $0x38;
	[tilespmem:$0x10200] =	vst v63  }
0x28: {  	s22 =	sadd.s32 s23, s22;
	s23 =	simm.s32 $0x5  }
0x29: {  	[hbm4b:s22+s2] =	stream.linear.scatter [tilespmem:s14], [sflag:$0x8], $0x4000, $0x38;
	[tilespmem:$0x10200] =	vst v63  }
0x2a: {  	_ =	swait.ge [sflag:s23], $0x4000  }
0x2b: {  	s26 =	ssub.s32 $0x2, s25;
	[sflag:s23] =	ssyncset.done $0x0  }
0x2c: {  	s24 =	simm.s32 $0x7;
	s28 =	sshrl.u32 s26, $0x1;
	[sflag:s23] =	ssyncadd.s32 $0xFFFFC000  }
0x2d: {  	s26 =	ssub.s32 s26, s28;
	_ =	swait.ge [sflag:s24], $0x4000  }
0x2e: {  	s28 =	smax.u32 s26, $0x1;
	[sflag:s24] =	ssyncset.done $0x0  }
0x2f: {  	s25 =	simm.s32 $0x6;
	p0 =	sne.s32 s28, $0x1;
	[sflag:s24] =	ssyncadd.s32 $0xFFFFC000  }
.Ltmp0:
0x30: {  	_ =	swait.ge [sflag:s25], $0x4000;
	(pc) =	sbr.rel @!p0 .LBB2_2-.Ltmp0, $4  }
0x31: {  	[sflag:s25] =	ssyncset.done $0x0  }
0x32: {  	s26 =	simm.s32 $0x8;
	[sflag:s25] =	ssyncadd.s32 $0xFFFFC000  }
0x33: {  	_ =	swait.ge [sflag:s26], $0x4000  }
0x34: {  	s28 =	sadd.s32 $0xFFFFFFFF, s28;
	[sflag:s26] =	ssyncset.done $0x0  }
.LBB2_1:
0x35: {  	p0 =	sne.s32 s28, $0x1;
	s28 =	sadd.s32 $0xFFFFFFFF, s28;
	[sflag:s26] =	ssyncadd.s32 $0xFFFFC000  }
0x36: {  	[tilespmem:s2], [sflag:$0x9] =	stream.linear.gather [hbm4b:s3+s2], $0x100, $0x38;
	[tilespmem:$0x10200] =	vst v63  }
0x37: {  	_ = 	snop  }
0x38: {  	[tilespmem:s5], [sflag:$0xA] =	stream.linear.gather [hbm4b:s4+s2], $0x100, $0x38;
	[tilespmem:$0x10200] =	vst v63  }
0x39: {  	_ =	swait.ge [sflag:s6], $0x100  }
0x3a: {  	[sflag:s6] =	ssyncset.done $0x0  }
0x3b: {  	[sflag:s6] =	ssyncadd.s32 $0xFFFFFF00  }
0x3c: {  	_ =	swait.ge [sflag:s7], $0x100  }
0x3d: {  	[sflag:s7] =	ssyncset.done $0x0  }
0x3e: {  	[sflag:s7] =	ssyncadd.s32 $0xFFFFFF00  }
0x3f: {  	[tilespmem:s10], [sflag:$0x1] =	stream.indirect.gather [hbm4b:s8+s9], $0x80, s2, s9, $0xb8;
	[tilespmem:$0x10200] =	vst v63  }
0x40: {  	_ = 	snop  }
0x41: {  	[tilespmem:s11], [sflag:$0x3] =	stream.indirect.gather [hbm4b:s8+s9], $0x80, s5, s9, $0xb8;
	[tilespmem:$0x10200] =	vst v63  }
0x42: {  	_ = 	snop  }
0x43: {  	[tilespmem:s12], [sflag:$0x2] =	stream.indirect.gather [hbm4b:s8+s9], $0x80, s9, s9, $0xb8;
	[tilespmem:$0x10200] =	vst v63  }
0x44: {  	_ = 	snop  }
0x45: {  	[tilespmem:s14], [sflag:$0x4] =	stream.indirect.gather [hbm4b:s8+s9], $0x80, s13, s9, $0xb8;
	[tilespmem:$0x10200] =	vst v63  }
0x46: {  	_ =	swait.ge [sflag:s15], $0x4000  }
0x47: {  	[sflag:s15] =	ssyncset.done $0x0  }
0x48: {  	[sflag:s15] =	ssyncadd.s32 $0xFFFFC000  }
0x49: {  	_ =	swait.ge [sflag:s16], $0x4000  }
0x4a: {  	[sflag:s16] =	ssyncset.done $0x0  }
0x4b: {  	[sflag:s16] =	ssyncadd.s32 $0xFFFFC000  }
0x4c: {  	[hbm4b:s17+s2] =	stream.linear.scatter [tilespmem:s10], [sflag:$0x5], $0x4000, $0x38;
	[tilespmem:$0x10200] =	vst v63  }
0x4d: {  	_ = 	snop  }
0x4e: {  	[hbm4b:s18+s2] =	stream.linear.scatter [tilespmem:s11], [sflag:$0x7], $0x4000, $0x38;
	[tilespmem:$0x10200] =	vst v63  }
0x4f: {  	_ =	swait.ge [sflag:s19], $0x4000  }
0x50: {  	[sflag:s19] =	ssyncset.done $0x0  }
0x51: {  	[sflag:s19] =	ssyncadd.s32 $0xFFFFC000  }
0x52: {  	_ =	swait.ge [sflag:s20], $0x4000  }
0x53: {  	[sflag:s20] =	ssyncset.done $0x0  }
0x54: {  	[sflag:s20] =	ssyncadd.s32 $0xFFFFC000  }
0x55: {  	[hbm4b:s21+s2] =	stream.linear.scatter [tilespmem:s12], [sflag:$0x6], $0x4000, $0x38;
	[tilespmem:$0x10200] =	vst v63  }
0x56: {  	_ = 	snop  }
0x57: {  	[hbm4b:s22+s2] =	stream.linear.scatter [tilespmem:s14], [sflag:$0x8], $0x4000, $0x38;
	[tilespmem:$0x10200] =	vst v63  }
0x58: {  	_ =	swait.ge [sflag:s23], $0x4000  }
0x59: {  	[sflag:s23] =	ssyncset.done $0x0  }
0x5a: {  	[sflag:s23] =	ssyncadd.s32 $0xFFFFC000  }
0x5b: {  	_ =	swait.ge [sflag:s24], $0x4000  }
0x5c: {  	[sflag:s24] =	ssyncset.done $0x0  }
0x5d: {  	[sflag:s24] =	ssyncadd.s32 $0xFFFFC000  }
.Ltmp1:
0x5e: {  	_ =	swait.ge [sflag:s25], $0x4000;
	(pc) =	sbr.rel @p0 .LBB2_1-.Ltmp1, $4  }
0x5f: {  	[sflag:s25] =	ssyncset.done $0x0  }
0x60: {  	[sflag:s25] =	ssyncadd.s32 $0xFFFFC000  }
0x61: {  	_ =	swait.ge [sflag:s26], $0x4000  }
0x62: {  	[sflag:s26] =	ssyncset.done $0x0  }
.LBB2_2:
0x63: {  	[sflag:s26] =	ssyncadd.s32 $0xFFFFC000  }
0x64: {  	_ =	sfence.sel $0x180000  }
0x65: {  	[bflag:$0x0] =	sbarrier.arrive $0xFFFF  }
0x66: {  	p0 =	sne.s32 s0, $0x0;
	_ =	strace $0x9000004A  }
0x67: {  	s0 =	sadd.s32 @!p0 $0x100000, s1;
	[bflag:$0x2] =	sbarrier.arrive $0xFFFF  }
0x68: {  	[sflag:s0] =	ssyncadd.tile.s32 @!p0 $0x1;
	_ =	shalt  }
.Lfunc_end2:
_tile_overlayer_lowered:
.L_overlay_start_2:
0x69: {  	(tag) =	ssettag $0x2  }
0x6a: {  	s0 =	rddreg [dreg:$0x0];
	s2 =	stileid.u32  }
0x6b: {  	s1 =	rddreg [dreg:$0x1];
	p0 =	sne.s32 s2, $0x0  }
0x6c: {  	s3 =	rddreg [dreg:$0x2];
	[bflag:$0x3] =	sbarrier.arrive $0xFFFF;
	s2 =	simm.s32 @!p0 $0x1C0B  }
0x6d: {  	[timem:s3], [sflag:s2] =	dma.local @!p0 [hbm:s0], s1  }
0x6e: {  	s0 =	simm.s32 @!p0 $0xB  }
0x6f: {  	_ =	swait.ge @!p0 [sflag:s0], s1  }
0x70: {  	s1 =	ssub.s32 @!p0 $0x0, s1;
	[sflag:s0] =	ssyncset.done @!p0 $0x0  }
0x71: {  	[sflag:s0] =	ssyncadd.s32 @!p0 s1  }
0x72: {  	[bflag:$0x3] =	sbarrier.arrive $0xFFFF  }
0x73: {  	_ =	shalt  }

// kernel: kernel.9.cloned.1.call-start
scs
__scs_entry_jumppad:
0x0: {  	(pc) =	sbr.rel $0x88, $3  }
0x1: {  	(tag) =	ssettag $0x0;
	lr =	simm.s32 $0x1  }
0x2: {  	[smem:$0x3F99] =	sst lr;
	_ =	strace $0xD0000000  }
0x3: {  	_ = 	snop  }
0x4: {  	_ = 	snop  }
0x5: {  	_ = 	snop  }
0x6: {  	_ = 	snop  }
0x7: {  	_ = 	snop  }
__scs_overlays_trampoline_lowered:
0x8: {  	[smem:$0x3FA8] =	sst s0  }
0x9: {  	[smem:$0x3FA9] =	sst s1  }
0xa: {  	[smem:$0x3FAA] =	sst s2  }
0xb: {  	[smem:$0x3FAB] =	sst s3  }
0xc: {  	[smem:$0x3FAC] =	sst s4  }
0xd: {  	[smem:$0x3FAD] =	sst s5  }
0xe: {  	[smem:$0x3FAE] =	sst s6  }
0xf: {  	[smem:$0x3FAF] =	sst s7  }
0x10: {  	[smem:$0x3FB0] =	sst s8  }
0x11: {  	[smem:$0x3FB1] =	sst s9;
	s0 =	simm.s32 @!p0 $0x0  }
0x12: {  	s1 =	sld [smem:$0x3F97];
	s0 =	simm.s32 @p0 $0x1  }
0x13: {  	[smem:$0x3FB2] =	sst s0;
	s0 =	simm.s32 @!p1 $0x0  }
0x14: {  	s2 =	sld [smem:$0x3F96];
	s0 =	simm.s32 @p1 $0x1  }
0x15: {  	[smem:$0x3FB3] =	sst s0;
	s0 =	simm.s32 @!p2 $0x0  }
0x16: {  	s3 =	sld [smem:$0x3FDB];
	s0 =	simm.s32 @p2 $0x1  }
0x17: {  	s4 =	simm.s32 $0x1BF5;
	[smem:$0x3FB5] =	sst s0  }
0x18: {  	s0 =	sld [smem:$0x3F98];
	_ =	swait.ge [sflag:s4], $0x0  }
0x19: {  	s7 =	sld [smem:$0x3F99]  }
0x1a: {  	s8 =	sadd.s32 $0xFFFFE003, lr  }
0x1b: {  	s9 =	sadd.s32 $0xFFFFFEF7, lr;
	s5 =	simm.s32 $0xFFFFFFFF;
	p2 =	slt.u32 s8, $0xFFFFF086  }
0x1c: {  	p1 =	slt.u32 s9, $0xF7A;
	s5 =	simm.s32 @!p2 $0x0  }
0x1d: {  	s5 =	simm.s32 @p1 $0x1;
	p0 =	seq.s32 s7, s2  }
0x1e: {  	s7 =	smul.u32 @!p0 $0xF7A, s2;
	p2 =	seq.s32 @!p0 s5, $0x0  }
0x1f: {  	s9 =	smul.u32 $0xF7A, s1;
	s8 =	simm.s32 @!p0 $0x1BF5;
	p2 =	por !p2, p0  }
0x20: {  	[sflag:s8] =	ssyncset.s32 @!p0 $0xFFFFF086;
	s6 =	sadd.s32 @!p0 s3, s7;
	s7 =	simm.s32 @!p0 $0x108  }
0x21: {  	s3 =	sadd.s32 s3, s9;
	s6 =	sadd.s32 @!p0 $0x88, s6;
	s7 =	simm.s32 @p2 $0x1082  }
0x22: {  	[simem:s7], [sflag:s8] =	dma.local @!p0 [hbm:s6], $0xF7A  }
0x23: {  	s9 =	sor.u32 $0xD0000000, s2;
	s6 =	simm.s32 $0x108;
	_ =	swait.ge @!p0 [sflag:s8], $0x0  }
0x24: {  	s3 =	sadd.s32 $0x88, s3;
	s6 =	simm.s32 @!p1 $0x1082;
	[sflag:s4] =	ssyncset.s32 $0xFFFFF086  }
0x25: {  	[simem:s6], [sflag:s4] =	dma.local [hbm:s3], $0xF7A  }
0x26: {  	[smem:$0x3F99] =	sst s1;
	(tag) =	ssettag s2;
	_ =	strace s9  }
0x27: {  	s1 =	sld [smem:$0x3FA9]  }
0x28: {  	s2 =	sld [smem:$0x3FAA]  }
0x29: {  	s4 =	sld [smem:$0x3FAC]  }
0x2a: {  	p0 =	seq.s32 s5, $0x0;
	s5 =	sld [smem:$0x3FAD]  }
0x2b: {  	s6 =	sld [smem:$0x3FAE]  }
0x2c: {  	s7 =	sld [smem:$0x3FAF]  }
0x2d: {  	s3 =	simm.s32 $0x108;
	s8 =	sld [smem:$0x3FB0]  }
0x2e: {  	s3 =	simm.s32 @!p0 $0x1082;
	s9 =	sld [smem:$0x3FB1]  }
0x2f: {  	lr =	sadd.s32 s0, s3;
	s0 =	sld [smem:$0x3FA8]  }
0x30: {  	s3 =	sld [smem:$0x3FAB]  }
0x31: {  	[smem:$0x3FB4] =	sst s10  }
0x32: {  	s10 =	sld [smem:$0x3FB2];
	_ =	sdelay $0x3  }
0x33: {  	p0 =	seq.s32 s10, $0x1;
	s10 =	sld [smem:$0x3FB4];
	_ =	sdelay $0x3  }
0x34: {  	[smem:$0x3FB4] =	sst s10  }
0x35: {  	s10 =	sld [smem:$0x3FB3];
	_ =	sdelay $0x3  }
0x36: {  	p1 =	seq.s32 s10, $0x1;
	s10 =	sld [smem:$0x3FB4];
	_ =	sdelay $0x3  }
0x37: {  	[smem:$0x3FB4] =	sst s10  }
0x38: {  	s10 =	sld [smem:$0x3FB5]  }
0x39: {  	_ = 	snop;
	(pc) =	sbr.ind lr, $3  }
0x3a: {  	_ = 	snop  }
0x3b: {  	_ = 	snop  }
0x3c: {  	p2 =	seq.s32 s10, $0x1;
	s10 =	sld [smem:$0x3FB4]  }
0x3d: {  	_ =	shalt  }
0x3e: {  	_ =	shalt  }
0x3f: {  	_ =	shalt  }
0x40: {  	_ =	shalt  }
0x41: {  	_ =	shalt  }
0x42: {  	_ =	shalt  }
0x43: {  	_ =	shalt  }
0x44: {  	_ =	shalt  }
0x45: {  	_ =	shalt  }
0x46: {  	_ =	shalt  }
0x47: {  	_ =	shalt  }
0x48: {  	_ =	shalt  }
0x49: {  	_ =	shalt  }
0x4a: {  	_ =	shalt  }
0x4b: {  	_ =	shalt  }
0x4c: {  	_ =	shalt  }
0x4d: {  	_ =	shalt  }
0x4e: {  	_ =	shalt  }
0x4f: {  	_ =	shalt  }
0x50: {  	_ =	shalt  }
0x51: {  	_ =	shalt  }
0x52: {  	_ =	shalt  }
0x53: {  	_ =	shalt  }
0x54: {  	_ =	shalt  }
0x55: {  	_ =	shalt  }
0x56: {  	_ =	shalt  }
0x57: {  	_ =	shalt  }
0x58: {  	_ =	shalt  }
0x59: {  	_ =	shalt  }
0x5a: {  	_ =	shalt  }
0x5b: {  	_ =	shalt  }
0x5c: {  	_ =	shalt  }
0x5d: {  	_ =	shalt  }
0x5e: {  	_ =	shalt  }
0x5f: {  	_ =	shalt  }
0x60: {  	_ =	shalt  }
0x61: {  	_ =	shalt  }
0x62: {  	_ =	shalt  }
0x63: {  	_ =	shalt  }
0x64: {  	_ =	shalt  }
0x65: {  	_ =	shalt  }
0x66: {  	_ =	shalt  }
0x67: {  	_ =	shalt  }
0x68: {  	_ =	shalt  }
0x69: {  	_ =	shalt  }
0x6a: {  	_ =	shalt  }
0x6b: {  	_ =	shalt  }
0x6c: {  	_ =	shalt  }
0x6d: {  	_ =	shalt  }
0x6e: {  	_ =	shalt  }
0x6f: {  	_ =	shalt  }
0x70: {  	_ =	shalt  }
0x71: {  	_ =	shalt  }
0x72: {  	_ =	shalt  }
0x73: {  	_ =	shalt  }
0x74: {  	_ =	shalt  }
0x75: {  	_ =	shalt  }
0x76: {  	_ =	shalt  }
0x77: {  	_ =	shalt  }
0x78: {  	_ =	shalt  }
0x79: {  	_ =	shalt  }
0x7a: {  	_ =	shalt  }
0x7b: {  	_ =	shalt  }
0x7c: {  	_ =	shalt  }
0x7d: {  	_ =	shalt  }
0x7e: {  	_ =	shalt  }
0x7f: {  	_ =	shalt  }
0x80: {  	_ =	shalt  }
0x81: {  	_ =	shalt  }
0x82: {  	_ =	shalt  }
0x83: {  	_ =	shalt  }
0x84: {  	_ =	shalt  }
0x85: {  	_ =	shalt  }
0x86: {  	_ =	shalt  }
0x87: {  	_ =	shalt  }
.Lfunc_end0:
.L_simem_size_0:
called_computation.1_lowered:
.L_overlay_start_0:
0x88: {  	s2 =	sld [smem:$0x3FD9]  }
0x89: {  	s3 =	sld [smem:$0x3FFE];
	_ =	sdelay $0x1  }
0x8a: {  	s1 =	srdreg.scid  }
0x8b: {  	s0 =	sand.u32 $0x1, s1  }
0x8c: {  	s16 =	sshll.u32 s0, $0xA;
	s2 =	sadd.s32 s3, s2  }
0x8d: {  	s2 =	sadd.s32 s2, s16  }
0x8e: {  	[smem:$0x3FC0] =	sst s2  }
0x8f: {  	_ = 	snop  }
0x90: {  	(tm) =	ssettm $0x1  }
0x91: {  	s17 =	sld [smem:$0x3FFB];
	_ =	sdelay $0x3  }
0x92: {  	_ =	strace s17  }
0x93: {  	s2 =	sld [smem:$0x3FFC];
	_ =	sdelay $0x3  }
0x94: {  	_ =	strace s2  }
0x95: {  	s2 =	sld [smem:$0x3FFD];
	_ =	sdelay $0x3  }
0x96: {  	_ =	strace s2  }
0x97: {  	_ =	strace $0x8FFFFFFF  }
0x98: {  	s18 =	sld [smem:$0x3FDB];
	_ =	sdelay $0x1  }
0x99: {  	s19 =	simm.s32 $_scs_section_size  }
0x9a: {  	s4 =	simm.s32 $_size__tile_overlayer_lowered;
	s5 =	simm.s32 $_tile_overlayer_lowered  }
0x9b: {  	s22 =	simm.s32 $0x1BFF;
	s21 =	sshll.u32 s5, $0x1;
	s2 =	sadd.s32 s19, s18  }
0x9c: {  	s6 =	simm.s32 $0x0;
	s20 =	sshll.u32 s4, $0x1;
	s4 =	sadd.s32 s21, s2  }
0x9d: {  	[timem:s6], [sflag:s22] =	dma.local [hbm:s4], s20  }
0x9e: {  	_ =	swait.ge [sflag:s22], s20  }
0x9f: {  	s3 =	ssub.s32 $0x0, s20;
	[sflag:s22] =	ssyncset.done $0x0  }
0xa0: {  	[sflag:s22] =	ssyncadd.s32 s3;
	_ =	sdelay $0x1  }
0xa1: {  	s23 =	simm.s32 $0x1B8B  }
0xa2: {  	_ =	swait.ge [sflag:s23], $0x1  }
0xa3: {  	[sflag:s23] =	ssyncset.done $0x0  }
0xa4: {  	s25 =	simm.s32 $0x1B8E;
	s24 =	sld [smem:$0x3FFE];
	[sflag:s23] =	ssyncadd.s32 $0xFFFFFFFF  }
0xa5: {  	s26 =	simm.s32 $execute0_lowered;
	[smem:$0x3FD2] =	sst s25  }
0xa6: {  	s4 =	sshll.u32 s26, $0x1;
	_ =	strace $0x80000046;
	[dreg:$0x1] =	wrdreg $0xFFFFFFFF  }
0xa7: {  	s28 =	simm.s32 $_size_execute0_lowered;
	s2 =	sadd.s32 s2, s4;
	[dreg:$0x0] =	wrdreg $0x0  }
0xa8: {  	s4 =	sshll.u32 s28, $0x1;
	[dreg:$0x2] =	wrdreg s2  }
0xa9: {  	[dreg:$0x3] =	wrdreg s4  }
0xaa: {  	[dreg:$0x4] =	wrdreg $0xC0  }
0xab: {  	_ =	task [dreg:s6], $0x5FFFF  }
0xac: {  	[dreg:$0x1] =	wrdreg $0xFFFFFFFF  }
0xad: {  	[dreg:$0x0] =	wrdreg $0x60  }
0xae: {  	[dreg:$0x2] =	wrdreg s24  }
0xaf: {  	[dreg:$0x3] =	wrdreg $0xA  }
0xb0: {  	_ =	task.clear_ibuf [dreg:s6], $0x4FFFF;
	_ =	strace $0x90000046  }
0xb1: {  	s29 =	simm.s32 $0xA;
	_ =	strace $0x80000048  }
0xb2: {  	_ =	swait.ge [sflag:s29], $0x1  }
0xb3: {  	[sflag:s29] =	ssyncadd.s32 $0xFFFFFFFF  }
0xb4: {  	_ =	strace $0x90000048  }
0xb5: {  	_ =	sfence  }
0xb6: {  	s30 =	sld [smem:$0x0];
	_ =	sdelay $0x2  }
0xb7: {  	s31 =	sshll.u32 s1, $0xD;
	s1 =	sshrl.u32 s1, $0x2  }
0xb8: {  	s3 =	sand.u32 $0x4000, s31;
	s1 =	sadd.s32 s1, s30  }
0xb9: {  	s0 =	sor.u32 s3, s0;
	s1 =	sshll.u32 s1, $0x11  }
0xba: {  	s0 =	sor.u32 s1, s0  }
0xbb: {  	s0 =	sadd.s32 $0x8F2B, s0  }
0xbc: {  	[sflag:s0] =	ssyncadd.remote.s32 $0x1  }
0xbd: {  	_ =	sfence.sel $0xFFFF  }
0xbe: {  	[dreg:$0x0] =	wrdreg $0xFFFFFFFF;
	(pc) =	sbr.abs _section_cstart, $3  }
0xbf: {  	[dreg:$0x1] =	wrdreg $0xFFFFFFFF  }
0xc0: {  	_ =	task.clear_ibuf [dreg:s6], $0x2FFFF;
	_ =	strace $0x9FFFFFFF  }
0xc1: {  	(tm) =	ssettm $0x7FFFFFFF  }
tec
execute0_lowered:
.L_overlay_start_1:
0x0: {  	(tag) =	ssettag $0x1  }
0x1: {  	s1 =	srdreg.scid  }
0x2: {  	s0 =	stileid.u32;
	s25 =	sand.u32 $0x1, s1  }
0x3: {  	s31 =	sshll.u32 s0, $0x9;
	s2 =	sshll.u32 s25, $0x8  }
0x4: {  	s18 =	sor.u32 s2, s31  }
0x5: {  	s17 =	rddreg [dreg:$0x0];
	s2 =	simm.s32 $0x0;
	s3 =	sshrl.u32 s18, $0x3  }
0x6: {  	[smem:$0x7FF] =	sst s2;
	s4 =	sadd.s32 s3, s17  }
0x7: {  	s1 =	rddreg [dreg:$0x1];
	_ =	strace $0x80000047;
	s3 =	sadd.s32 $0x4600, s4  }
0x8: {  	[tilespmem:s2], [sflag:$0x9] =	stream.linear.gather [hbm4b:s3+s2], $0x100, $0x38;
	[tilespmem:$0x10200] =	vst v63  }
0x9: {  	s5 =	simm.s32 $0x100;
	s6 =	simm.s32 $0x9;
	s4 =	sadd.s32 $0x4200, s4  }
0xa: {  	[tilespmem:s5], [sflag:$0xA] =	stream.linear.gather [hbm4b:s4+s2], $0x100, $0x38;
	[tilespmem:$0x10200] =	vst v63  }
0xb: {  	_ =	swait.ge [sflag:s6], $0x100  }
0xc: {  	[sflag:s6] =	ssyncset.done $0x0  }
0xd: {  	s7 =	simm.s32 $0xA;
	[sflag:s6] =	ssyncadd.s32 $0xFFFFFF00  }
0xe: {  	_ =	swait.ge [sflag:s7], $0x100  }
0xf: {  	s9 =	simm.s32 $0x80;
	[sflag:s7] =	ssyncset.done $0x0  }
0x10: {  	s10 =	simm.s32 $0x200;
	s8 =	sadd.s32 $0x311600, s17;
	[sflag:s7] =	ssyncadd.s32 $0xFFFFFF00  }
0x11: {  	[tilespmem:s10], [sflag:$0x1] =	stream.indirect.gather [hbm4b:s8+s9], $0x80, s2, s9, $0xb8;
	[tilespmem:$0x10200] =	vst v63  }
0x12: {  	s11 =	simm.s32 $0x8200  }
0x13: {  	[tilespmem:s11], [sflag:$0x3] =	stream.indirect.gather [hbm4b:s8+s9], $0x80, s5, s9, $0xb8;
	[tilespmem:$0x10200] =	vst v63  }
0x14: {  	s12 =	simm.s32 $0x4200  }
0x15: {  	[tilespmem:s12], [sflag:$0x2] =	stream.indirect.gather [hbm4b:s8+s9], $0x80, s9, s9, $0xb8;
	[tilespmem:$0x10200] =	vst v63  }
0x16: {  	s13 =	simm.s32 $0x180;
	s14 =	simm.s32 $0xC200;
	s15 =	simm.s32 $0x1  }
0x17: {  	[tilespmem:s14], [sflag:$0x4] =	stream.indirect.gather [hbm4b:s8+s9], $0x80, s13, s9, $0xb8;
	[tilespmem:$0x10200] =	vst v63  }
0x18: {  	_ =	swait.ge [sflag:s15], $0x4000  }
0x19: {  	[sflag:s15] =	ssyncset.done $0x0  }
0x1a: {  	s16 =	simm.s32 $0x3;
	[sflag:s15] =	ssyncadd.s32 $0xFFFFC000  }
0x1b: {  	_ =	swait.ge [sflag:s16], $0x4000  }
0x1c: {  	s21 =	sadd.s32 $0x4E00, s17;
	s22 =	sshll.u32 s18, $0x4;
	[sflag:s16] =	ssyncset.done $0x0  }
0x1d: {  	s23 =	sadd.s32 $0x24E00, s17;
	s17 =	sadd.s32 s21, s22;
	[sflag:s16] =	ssyncadd.s32 $0xFFFFC000  }
0x1e: {  	[hbm4b:s17+s2] =	stream.linear.scatter [tilespmem:s10], [sflag:$0x5], $0x4000, $0x38;
	[tilespmem:$0x10200] =	vst v63  }
0x1f: {  	s19 =	simm.s32 $0x2;
	s18 =	sadd.s32 s23, s22  }
0x20: {  	[hbm4b:s18+s2] =	stream.linear.scatter [tilespmem:s11], [sflag:$0x7], $0x4000, $0x38;
	[tilespmem:$0x10200] =	vst v63  }
0x21: {  	_ =	swait.ge [sflag:s19], $0x4000  }
0x22: {  	[sflag:s19] =	ssyncset.done $0x0  }
0x23: {  	s20 =	simm.s32 $0x4;
	[sflag:s19] =	ssyncadd.s32 $0xFFFFC000  }
0x24: {  	_ =	swait.ge [sflag:s20], $0x4000  }
0x25: {  	s22 =	sor.u32 $0x800, s22;
	[sflag:s20] =	ssyncset.done $0x0  }
0x26: {  	s21 =	sadd.s32 s21, s22;
	[sflag:s20] =	ssyncadd.s32 $0xFFFFC000  }
0x27: {  	[hbm4b:s21+s2] =	stream.linear.scatter [tilespmem:s12], [sflag:$0x6], $0x4000, $0x38;
	[tilespmem:$0x10200] =	vst v63  }
0x28: {  	s22 =	sadd.s32 s23, s22;
	s23 =	simm.s32 $0x5  }
0x29: {  	[hbm4b:s22+s2] =	stream.linear.scatter [tilespmem:s14], [sflag:$0x8], $0x4000, $0x38;
	[tilespmem:$0x10200] =	vst v63  }
0x2a: {  	_ =	swait.ge [sflag:s23], $0x4000  }
0x2b: {  	s26 =	ssub.s32 $0x2, s25;
	[sflag:s23] =	ssyncset.done $0x0  }
0x2c: {  	s24 =	simm.s32 $0x7;
	s28 =	sshrl.u32 s26, $0x1;
	[sflag:s23] =	ssyncadd.s32 $0xFFFFC000  }
0x2d: {  	s26 =	ssub.s32 s26, s28;
	_ =	swait.ge [sflag:s24], $0x4000  }
0x2e: {  	s28 =	smax.u32 s26, $0x1;
	[sflag:s24] =	ssyncset.done $0x0  }
0x2f: {  	s25 =	simm.s32 $0x6;
	p0 =	sne.s32 s28, $0x1;
	[sflag:s24] =	ssyncadd.s32 $0xFFFFC000  }
.Ltmp0:
0x30: {  	_ =	swait.ge [sflag:s25], $0x4000;
	(pc) =	sbr.rel @!p0 .LBB2_2-.Ltmp0, $4  }
0x31: {  	[sflag:s25] =	ssyncset.done $0x0  }
0x32: {  	s26 =	simm.s32 $0x8;
	[sflag:s25] =	ssyncadd.s32 $0xFFFFC000  }
0x33: {  	_ =	swait.ge [sflag:s26], $0x4000  }
0x34: {  	s28 =	sadd.s32 $0xFFFFFFFF, s28;
	[sflag:s26] =	ssyncset.done $0x0  }
.LBB2_1:
0x35: {  	p0 =	sne.s32 s28, $0x1;
	s28 =	sadd.s32 $0xFFFFFFFF, s28;
	[sflag:s26] =	ssyncadd.s32 $0xFFFFC000  }
0x36: {  	[tilespmem:s2], [sflag:$0x9] =	stream.linear.gather [hbm4b:s3+s2], $0x100, $0x38;
	[tilespmem:$0x10200] =	vst v63  }
0x37: {  	_ = 	snop  }
0x38: {  	[tilespmem:s5], [sflag:$0xA] =	stream.linear.gather [hbm4b:s4+s2], $0x100, $0x38;
	[tilespmem:$0x10200] =	vst v63  }
0x39: {  	_ =	swait.ge [sflag:s6], $0x100  }
0x3a: {  	[sflag:s6] =	ssyncset.done $0x0  }
0x3b: {  	[sflag:s6] =	ssyncadd.s32 $0xFFFFFF00  }
0x3c: {  	_ =	swait.ge [sflag:s7], $0x100  }
0x3d: {  	[sflag:s7] =	ssyncset.done $0x0  }
0x3e: {  	[sflag:s7] =	ssyncadd.s32 $0xFFFFFF00  }
0x3f: {  	[tilespmem:s10], [sflag:$0x1] =	stream.indirect.gather [hbm4b:s8+s9], $0x80, s2, s9, $0xb8;
	[tilespmem:$0x10200] =	vst v63  }
0x40: {  	_ = 	snop  }
0x41: {  	[tilespmem:s11], [sflag:$0x3] =	stream.indirect.gather [hbm4b:s8+s9], $0x80, s5, s9, $0xb8;
	[tilespmem:$0x10200] =	vst v63  }
0x42: {  	_ = 	snop  }
0x43: {  	[tilespmem:s12], [sflag:$0x2] =	stream.indirect.gather [hbm4b:s8+s9], $0x80, s9, s9, $0xb8;
	[tilespmem:$0x10200] =	vst v63  }
0x44: {  	_ = 	snop  }
0x45: {  	[tilespmem:s14], [sflag:$0x4] =	stream.indirect.gather [hbm4b:s8+s9], $0x80, s13, s9, $0xb8;
	[tilespmem:$0x10200] =	vst v63  }
0x46: {  	_ =	swait.ge [sflag:s15], $0x4000  }
0x47: {  	[sflag:s15] =	ssyncset.done $0x0  }
0x48: {  	[sflag:s15] =	ssyncadd.s32 $0xFFFFC000  }
0x49: {  	_ =	swait.ge [sflag:s16], $0x4000  }
0x4a: {  	[sflag:s16] =	ssyncset.done $0x0  }
0x4b: {  	[sflag:s16] =	ssyncadd.s32 $0xFFFFC000  }
0x4c: {  	[hbm4b:s17+s2] =	stream.linear.scatter [tilespmem:s10], [sflag:$0x5], $0x4000, $0x38;
	[tilespmem:$0x10200] =	vst v63  }
0x4d: {  	_ = 	snop  }
0x4e: {  	[hbm4b:s18+s2] =	stream.linear.scatter [tilespmem:s11], [sflag:$0x7], $0x4000, $0x38;
	[tilespmem:$0x10200] =	vst v63  }
0x4f: {  	_ =	swait.ge [sflag:s19], $0x4000  }
0x50: {  	[sflag:s19] =	ssyncset.done $0x0  }
0x51: {  	[sflag:s19] =	ssyncadd.s32 $0xFFFFC000  }
0x52: {  	_ =	swait.ge [sflag:s20], $0x4000  }
0x53: {  	[sflag:s20] =	ssyncset.done $0x0  }
0x54: {  	[sflag:s20] =	ssyncadd.s32 $0xFFFFC000  }
0x55: {  	[hbm4b:s21+s2] =	stream.linear.scatter [tilespmem:s12], [sflag:$0x6], $0x4000, $0x38;
	[tilespmem:$0x10200] =	vst v63  }
0x56: {  	_ = 	snop  }
0x57: {  	[hbm4b:s22+s2] =	stream.linear.scatter [tilespmem:s14], [sflag:$0x8], $0x4000, $0x38;
	[tilespmem:$0x10200] =	vst v63  }
0x58: {  	_ =	swait.ge [sflag:s23], $0x4000  }
0x59: {  	[sflag:s23] =	ssyncset.done $0x0  }
0x5a: {  	[sflag:s23] =	ssyncadd.s32 $0xFFFFC000  }
0x5b: {  	_ =	swait.ge [sflag:s24], $0x4000  }
0x5c: {  	[sflag:s24] =	ssyncset.done $0x0  }
0x5d: {  	[sflag:s24] =	ssyncadd.s32 $0xFFFFC000  }
.Ltmp1:
0x5e: {  	_ =	swait.ge [sflag:s25], $0x4000;
	(pc) =	sbr.rel @p0 .LBB2_1-.Ltmp1, $4  }
0x5f: {  	[sflag:s25] =	ssyncset.done $0x0  }
0x60: {  	[sflag:s25] =	ssyncadd.s32 $0xFFFFC000  }
0x61: {  	_ =	swait.ge [sflag:s26], $0x4000  }
0x62: {  	[sflag:s26] =	ssyncset.done $0x0  }
.LBB2_2:
0x63: {  	[sflag:s26] =	ssyncadd.s32 $0xFFFFC000  }
0x64: {  	_ =	sfence.sel $0x180000  }
0x65: {  	[bflag:$0x0] =	sbarrier.arrive $0xFFFF  }
0x66: {  	p0 =	sne.s32 s0, $0x0;
	_ =	strace $0x90000047  }
0x67: {  	s0 =	sadd.s32 @!p0 $0x100000, s1;
	[bflag:$0x2] =	sbarrier.arrive $0xFFFF  }
0x68: {  	[sflag:s0] =	ssyncadd.tile.s32 @!p0 $0x1;
	_ =	shalt  }
.Lfunc_end2:
_tile_overlayer_lowered:
.L_overlay_start_2:
0x69: {  	(tag) =	ssettag $0x2  }
0x6a: {  	s0 =	rddreg [dreg:$0x0];
	s2 =	stileid.u32  }
0x6b: {  	s1 =	rddreg [dreg:$0x1];
	p0 =	sne.s32 s2, $0x0  }
0x6c: {  	s3 =	rddreg [dreg:$0x2];
	[bflag:$0x3] =	sbarrier.arrive $0xFFFF;
	s2 =	simm.s32 @!p0 $0x1C0B  }
0x6d: {  	[timem:s3], [sflag:s2] =	dma.local @!p0 [hbm:s0], s1  }
0x6e: {  	s0 =	simm.s32 @!p0 $0xB  }
0x6f: {  	_ =	swait.ge @!p0 [sflag:s0], s1  }
0x70: {  	s1 =	ssub.s32 @!p0 $0x0, s1;
	[sflag:s0] =	ssyncset.done @!p0 $0x0  }
0x71: {  	[sflag:s0] =	ssyncadd.s32 @!p0 s1  }
0x72: {  	[bflag:$0x3] =	sbarrier.arrive $0xFFFF  }
0x73: {  	_ =	shalt  }

</sc_bundles>
